<compile_context>
chip_gen: v7x
topology: tpu7x:2x2x1
jax: 0.10.2.dev20260603
libtpu: 0.0.44.dev20260713+nightly
codegen_flags: <defaults>
</compile_context>

<pallas_src>
import functools

import jax
import jax.numpy as jnp
from jax import lax
from jax.experimental import pallas as pl
from jax.experimental.pallas import tpu as pltpu
from jax.experimental.pallas import tpu_sc as plsc

B = 1024
S = 77
SP = 80
D = 768
NC, NS = 2, 16
NW = NC * NS
CHB = 32
ITEMS = S * (B // CHB)
IPW = ITEMS // NW
ROWS_PER_W = IPW * CHB

_mesh = plsc.VectorSubcoreMesh(core_axis_name="c", subcore_axis_name="s")


@functools.partial(
    pl.kernel,
    mesh=_mesh,
    out_type=(
        jax.ShapeDtypeStruct((S * B, D), jnp.float32),
        jax.ShapeDtypeStruct((SP, D), jnp.float32),
    ),
    scratch_types=[
        pltpu.VMEM((ROWS_PER_W,), jnp.int32),
        pltpu.VMEM((SP,), jnp.int32),
        pltpu.VMEM((CHB, D), jnp.float32),
        pltpu.VMEM((CHB, D), jnp.float32),
        pltpu.VMEM((SP, D), jnp.float32),
        pltpu.SemaphoreType.DMA,
        pltpu.SemaphoreType.DMA,
        pltpu.SemaphoreType.DMA,
        pltpu.SemaphoreType.DMA,
    ],
)
def _gather_kernel(ids_hbm, pids_hbm, tok_hbm, pos_hbm, out_hbm, pos_out_hbm,
                   idx_v, pidx_v, buf0, buf1, pbuf,
                   gsem0, gsem1, osem0, osem1):
    wid = lax.axis_index("s") * NC + lax.axis_index("c")
    item0 = wid * IPW

    pltpu.sync_copy(ids_hbm.at[pl.ds(item0 * CHB, ROWS_PER_W)], idx_v)

    @pl.when(wid == 0)
    def _():
        pltpu.sync_copy(pids_hbm, pidx_v)
        pltpu.async_copy(pos_hbm.at[pidx_v], pbuf, gsem0).wait()
        pltpu.sync_copy(pbuf, pos_out_hbm)

    bufs = (buf0, buf1)
    gsems = (gsem0, gsem1)
    osems = (osem0, osem1)

    def obase(i):
        k = item0 + i
        return (k // (B // CHB)) * B + lax.rem(k, B // CHB) * CHB

    def gwait(b, i):
        pltpu.make_async_copy(tok_hbm.at[idx_v.at[pl.ds(i * CHB, CHB)]],
                              bufs[b], gsems[b]).wait()

    def owait(b, i):
        pltpu.make_async_copy(bufs[b], out_hbm.at[pl.ds(obase(i), CHB)],
                              osems[b]).wait()

    def step(b, i):
        @pl.when(i >= 2)
        def _():
            owait(b, i - 2)
        pltpu.async_copy(tok_hbm.at[idx_v.at[pl.ds(i * CHB, CHB)]],
                         bufs[b], gsems[b])
        ob = 1 - b

        @pl.when(i >= 1)
        def _():
            gwait(ob, i - 1)
            pltpu.async_copy(bufs[ob], out_hbm.at[pl.ds(obase(i - 1), CHB)],
                             osems[ob])

    def item_body(i, _):
        parity = lax.rem(i, 2)

        @pl.when(parity == 0)
        def _():
            step(0, i)

        @pl.when(parity == 1)
        def _():
            step(1, i)
        return 0

    lax.fori_loop(0, IPW, item_body, 0)

    lb = (IPW - 1) % 2
    gwait(lb, IPW - 1)
    pltpu.async_copy(bufs[lb], out_hbm.at[pl.ds(obase(IPW - 1), CHB)],
                     osems[lb])
    owait(1 - lb, IPW - 2)
    owait(lb, IPW - 1)


def _add_body(g_ref, p_ref, o_ref):
    p = p_ref[pl.program_id(0)]
    o_ref[...] = (g_ref[...] + p[None, :])[None]


_add_kernel = pl.pallas_call(
    _add_body,
    grid=(S,),
    in_specs=[
        pl.BlockSpec((B, D), lambda s: (s, 0)),
        pl.BlockSpec((SP, D), lambda s: (0, 0)),
    ],
    out_specs=pl.BlockSpec((1, B, D), lambda s: (s, 0, 0)),
    out_shape=jax.ShapeDtypeStruct((S, B, D), jnp.float32),
)


def kernel(input_ids, position_ids, token_table, pos_table):
    ids_sm = input_ids.astype(jnp.int32).reshape(B, S).T.reshape(-1)
    pids = jnp.pad(position_ids.astype(jnp.int32).reshape(-1), (0, SP - S))
    gathered, pos_eff = _gather_kernel(ids_sm, pids, token_table, pos_table)
    out_sm = _add_kernel(gathered, pos_eff)
    return jnp.transpose(out_sm, (1, 0, 2))

# --- scband reference (transcript-rebuilt; emitter-appended) ---
"""Pipeline reference for scband-cliptext-embeddings-79345225826624 (READ-ONLY COPY).

The authoritative reference and input builder live on the scoring server;
editing this copy changes nothing except your own understanding.
"""

import jax, jax.numpy as jnp
import numpy as np

VOCAB_SIZE = 49408
HIDDEN_SIZE = 768
MAX_POS = 77
BATCH = 1024
SEQ = 77

def setup_inputs(seed: int = 0) -> dict:
    key = jax.random.key(seed)
    k1, k2, k3 = jax.random.split(key, 3)
    input_ids = jax.random.randint(k1, (BATCH, SEQ), 0, VOCAB_SIZE, dtype=jnp.int64)
    position_ids = jnp.arange(SEQ, dtype=jnp.int32).reshape(1, SEQ)
    token_table = jax.random.normal(k2, (VOCAB_SIZE, HIDDEN_SIZE), dtype=jnp.float32) * 0.02
    pos_table = jax.random.normal(k3, (MAX_POS, HIDDEN_SIZE), dtype=jnp.float32) * 0.02
    return {"input_ids": input_ids, "position_ids": position_ids,
            "token_table": token_table, "pos_table": pos_table}

def reference(input_ids, position_ids, token_table, pos_table):
    # token embedding lookup (gather)
    inputs_embeds = jnp.take(token_table, input_ids, axis=0)
    # position embedding lookup (gather), broadcast over batch
    position_embeddings = jnp.take(pos_table, position_ids, axis=0)
    return inputs_embeds + position_embeddings

if __name__ == "__main__":
    import jax
    _d = setup_inputs()
    print(jax.jit(kernel)(*tuple(_d.values())))

</pallas_src>

<mosaic_0001>
#map = affine_map<(d0, d1) -> (0)>
#map1 = affine_map<(d0, d1) -> (0, 0)>
module attributes {stable_mosaic.version = 14 : i64} {
  func.func @_gather_kernel(%arg0: i32, %arg1: i32, %arg2: memref<78848xi32, #tpu.memory_space<hbm>>, %arg3: memref<80xi32, #tpu.memory_space<hbm>>, %arg4: memref<49408x768xf32, #tpu.memory_space<hbm>>, %arg5: memref<77x768xf32, #tpu.memory_space<hbm>>, %arg6: memref<78848x768xf32, #tpu.memory_space<hbm>>, %arg7: memref<80x768xf32, #tpu.memory_space<hbm>>, %arg8: memref<2464xi32, #tpu.memory_space<vmem>>, %arg9: memref<80xi32, #tpu.memory_space<vmem>>, %arg10: memref<32x768xf32, #tpu.memory_space<vmem>>, %arg11: memref<32x768xf32, #tpu.memory_space<vmem>>, %arg12: memref<80x768xf32, #tpu.memory_space<vmem>>, %arg13: memref<!tpu.dma_semaphore, #tpu.memory_space<semaphore_mem>>, %arg14: memref<!tpu.dma_semaphore, #tpu.memory_space<semaphore_mem>>, %arg15: memref<!tpu.dma_semaphore, #tpu.memory_space<semaphore_mem>>, %arg16: memref<!tpu.dma_semaphore, #tpu.memory_space<semaphore_mem>>) attributes {dimension_semantics = [#tpu.dimension_semantics<core_parallel>, #tpu.dimension_semantics<subcore_parallel>], iteration_bounds = array<i64: 2, 16>, scalar_prefetch = 0 : i64, scratch_operands = 9 : i64, tpu.core_type = #tpu.core_type<sc_vector_subcore>, window_params = [{transform_indices = #map}, {transform_indices = #map}, {transform_indices = #map1}, {transform_indices = #map1}, {transform_indices = #map1}, {transform_indices = #map1}]} {
    %mul3A = arith.constant 2 : i32
    %mul3A_0 = arith.muli %arg1, %mul3A : i32
    %add3A = arith.addi %mul3A_0, %arg0 : i32
    %mul3A_1 = arith.constant 77 : i32
    %mul3A_2 = arith.muli %add3A, %mul3A_1 : i32
    %mul3A_3 = arith.constant 32 : i32
    %mul3A_4 = arith.muli %mul3A_2, %mul3A_3 : i32
    "tpu.region"() ({
      %run_scoped3A = tpu.sem_alloc : memref<!tpu.dma_semaphore, #tpu.memory_space<semaphore_mem>>
      %dma_start3A_119 = tpu.memref_slice %arg2[%mul3A_4] : memref<78848xi32, #tpu.memory_space<hbm>> -> memref<2464xi32, #tpu.memory_space<hbm>>
      %dma_start3A_120 = tpu.memref_slice %arg2[%mul3A_4] : memref<78848xi32, #tpu.memory_space<hbm>> -> memref<2464xi32, #tpu.memory_space<hbm>>
      tpu.enqueue_dma source(%dma_start3A_120 : memref<2464xi32, #tpu.memory_space<hbm>>) target(%arg8 : memref<2464xi32, #tpu.memory_space<vmem>>) target_semaphore(%run_scoped3A : memref<!tpu.dma_semaphore, #tpu.memory_space<semaphore_mem>>)
      %dma_wait3A_121 = tpu.memref_slice %arg2[%mul3A_4] : memref<78848xi32, #tpu.memory_space<hbm>> -> memref<2464xi32, #tpu.memory_space<hbm>>
      %dma_wait3A_122 = tpu.memref_slice %arg2[%mul3A_4] : memref<78848xi32, #tpu.memory_space<hbm>> -> memref<2464xi32, #tpu.memory_space<hbm>>
      tpu.wait_dma2 semaphore(%run_scoped3A : memref<!tpu.dma_semaphore, #tpu.memory_space<semaphore_mem>>) src(%dma_wait3A_122 : memref<2464xi32, #tpu.memory_space<hbm>>) dst(%arg8 : memref<2464xi32, #tpu.memory_space<vmem>>)
      tpu.yield
    }) : () -> ()
    %eq3A = arith.constant 0 : i32
    %eq3A_5 = arith.cmpi eq, %add3A, %eq3A : i32
    %convert_element_type3A = arith.extui %eq3A_5 : i1 to i32
    %cond3A = arith.constant 0 : i32
    %cond3A_6 = arith.cmpi ne, %convert_element_type3A, %cond3A : i32
    scf.if %cond3A_6 {
      "tpu.region"() ({
        %run_scoped3A = tpu.sem_alloc : memref<!tpu.dma_semaphore, #tpu.memory_space<semaphore_mem>>
        tpu.enqueue_dma source(%arg3 : memref<80xi32, #tpu.memory_space<hbm>>) target(%arg9 : memref<80xi32, #tpu.memory_space<vmem>>) target_semaphore(%run_scoped3A : memref<!tpu.dma_semaphore, #tpu.memory_space<semaphore_mem>>)
        tpu.wait_dma2 semaphore(%run_scoped3A : memref<!tpu.dma_semaphore, #tpu.memory_space<semaphore_mem>>) src(%arg3 : memref<80xi32, #tpu.memory_space<hbm>>) dst(%arg9 : memref<80xi32, #tpu.memory_space<vmem>>)
        tpu.yield
      }) : () -> ()
      %dma_start3A_119 = arith.constant 0 : i32
      %dma_start3A_120 = arith.constant 0 : i32
      %dma_start3A_121 = tpu.memref_slice %arg5[%dma_start3A_119, %dma_start3A_120] : memref<77x768xf32, #tpu.memory_space<hbm>> -> memref<77x768xf32, #tpu.memory_space<hbm>>
      tpu.enqueue_indirect_dma source(%dma_start3A_121 : memref<77x768xf32, #tpu.memory_space<hbm>>) target(%arg12 : memref<80x768xf32, #tpu.memory_space<vmem>>) offsets(%arg9 : memref<80xi32, #tpu.memory_space<vmem>>) semaphore(%arg13 : memref<!tpu.dma_semaphore, #tpu.memory_space<semaphore_mem>>)
      %dma_wait3A_122 = arith.constant 0 : i32
      %dma_wait3A_123 = arith.constant 0 : i32
      %dma_wait3A_124 = tpu.memref_slice %arg5[%dma_wait3A_122, %dma_wait3A_123] : memref<77x768xf32, #tpu.memory_space<hbm>> -> memref<77x768xf32, #tpu.memory_space<hbm>>
      tpu.wait_indirect_dma semaphore(%arg13 : memref<!tpu.dma_semaphore, #tpu.memory_space<semaphore_mem>>) src(%dma_wait3A_124 : memref<77x768xf32, #tpu.memory_space<hbm>>) dst(%arg12 : memref<80x768xf32, #tpu.memory_space<vmem>>)
      "tpu.region"() ({
        %run_scoped3A = tpu.sem_alloc : memref<!tpu.dma_semaphore, #tpu.memory_space<semaphore_mem>>
        tpu.enqueue_dma source(%arg12 : memref<80x768xf32, #tpu.memory_space<vmem>>) target(%arg7 : memref<80x768xf32, #tpu.memory_space<hbm>>) target_semaphore(%run_scoped3A : memref<!tpu.dma_semaphore, #tpu.memory_space<semaphore_mem>>)
        tpu.wait_dma2 semaphore(%run_scoped3A : memref<!tpu.dma_semaphore, #tpu.memory_space<semaphore_mem>>) src(%arg12 : memref<80x768xf32, #tpu.memory_space<vmem>>) dst(%arg7 : memref<80x768xf32, #tpu.memory_space<hbm>>)
        tpu.yield
      }) : () -> ()
    } else {
    }
    %scan3A = arith.constant 0 : i32
    %scan3A_7 = arith.constant 0 : i32
    %scan3A_8 = arith.constant 77 : i32
    %scan3A_9 = arith.addi %scan3A_7, %scan3A_8 : i32
    %scan3A_10 = arith.constant 1 : i32
    %scan3A_11 = scf.for %scan3A_119 = %scan3A_7 to %scan3A_9 step %scan3A_10 iter_args(%scan3A_120 = %scan3A) -> (i32)  : i32 {
      %rem3A_121 = arith.constant 2 : i32
      %rem3A_122 = arith.remsi %scan3A_119, %rem3A_121 : i32
      %eq3A_123 = arith.constant 0 : i32
      %eq3A_124 = arith.cmpi eq, %rem3A_122, %eq3A_123 : i32
      %convert_element_type3A_125 = arith.extui %eq3A_124 : i1 to i32
      %cond3A_126 = arith.constant 0 : i32
      %cond3A_127 = arith.cmpi ne, %convert_element_type3A_125, %cond3A_126 : i32
      scf.if %cond3A_127 {
        %ge3A = arith.constant 2 : i32
        %ge3A_134 = arith.cmpi sge, %scan3A_119, %ge3A : i32
        %convert_element_type3A_135 = arith.extui %ge3A_134 : i1 to i32
        %cond3A_136 = arith.constant 0 : i32
        %cond3A_137 = arith.cmpi ne, %convert_element_type3A_135, %cond3A_136 : i32
        scf.if %cond3A_137 {
          %sub3A_149 = arith.constant 2 : i32
          %sub3A_150 = arith.subi %scan3A_119, %sub3A_149 : i32
          %add3A_151 = arith.addi %mul3A_2, %sub3A_150 : i32
          %jit3A_152 = arith.constant 32 : i32
          %div3A_153 = arith.divsi %add3A_151, %jit3A_152 : i32
          %sign3A_154 = arith.constant 0 : i32
          %sign3A_155 = arith.cmpi sgt, %add3A_151, %sign3A_154 : i32
          %sign3A_156 = arith.extui %sign3A_155 : i1 to i32
          %sign3A_157 = arith.constant 0 : i32
          %sign3A_158 = arith.cmpi slt, %add3A_151, %sign3A_157 : i32
          %sign3A_159 = arith.extui %sign3A_158 : i1 to i32
          %sign3A_160 = arith.subi %sign3A_156, %sign3A_159 : i32
          %sign3A_161 = arith.constant 0 : i32
          %sign3A_162 = arith.cmpi sgt, %jit3A_152, %sign3A_161 : i32
          %sign3A_163 = arith.extui %sign3A_162 : i1 to i32
          %sign3A_164 = arith.constant 0 : i32
          %sign3A_165 = arith.cmpi slt, %jit3A_152, %sign3A_164 : i32
          %sign3A_166 = arith.extui %sign3A_165 : i1 to i32
          %sign3A_167 = arith.subi %sign3A_163, %sign3A_166 : i32
          %ne3A_168 = arith.cmpi ne, %sign3A_160, %sign3A_167 : i32
          %rem3A_169 = arith.remsi %add3A_151, %jit3A_152 : i32
          %ne3A_170 = arith.constant 0 : i32
          %ne3A_171 = arith.cmpi ne, %rem3A_169, %ne3A_170 : i32
          %and3A_172 = arith.andi %ne3A_168, %ne3A_171 : i1
          %sub3A_173 = arith.constant 1 : i32
          %sub3A_174 = arith.subi %div3A_153, %sub3A_173 : i32
          %select_n3A_175 = arith.select %and3A_172, %sub3A_174, %div3A_153 : i32
          %mul3A_176 = arith.constant 1024 : i32
          %mul3A_177 = arith.muli %select_n3A_175, %mul3A_176 : i32
          %rem3A_178 = arith.constant 32 : i32
          %rem3A_179 = arith.remsi %add3A_151, %rem3A_178 : i32
          %mul3A_180 = arith.constant 32 : i32
          %mul3A_181 = arith.muli %rem3A_179, %mul3A_180 : i32
          %add3A_182 = arith.addi %mul3A_177, %mul3A_181 : i32
          %dma_wait3A_183 = arith.constant 0 : i32
          %dma_wait3A_184 = tpu.memref_slice %arg6[%add3A_182, %dma_wait3A_183] : memref<78848x768xf32, #tpu.memory_space<hbm>> -> memref<32x768xf32, #tpu.memory_space<hbm>>
          %dma_wait3A_185 = arith.constant 0 : i32
          %dma_wait3A_186 = tpu.memref_slice %arg6[%add3A_182, %dma_wait3A_185] : memref<78848x768xf32, #tpu.memory_space<hbm>> -> memref<32x768xf32, #tpu.memory_space<hbm>>
          tpu.wait_dma2 semaphore(%arg15 : memref<!tpu.dma_semaphore, #tpu.memory_space<semaphore_mem>>) src(%arg10 : memref<32x768xf32, #tpu.memory_space<vmem>>) dst(%dma_wait3A_186 : memref<32x768xf32, #tpu.memory_space<hbm>>)
        } else {
        }
        %mul3A_138 = arith.constant 32 : i32
        %mul3A_139 = arith.muli %scan3A_119, %mul3A_138 : i32
        %dma_start3A_140 = tpu.memref_slice %arg8[%mul3A_139] : memref<2464xi32, #tpu.memory_space<vmem>> -> memref<32xi32, #tpu.memory_space<vmem>>
        %dma_start3A_141 = arith.constant 0 : i32
        %dma_start3A_142 = arith.constant 0 : i32
        %dma_start3A_143 = tpu.memref_slice %arg4[%dma_start3A_141, %dma_start3A_142] : memref<49408x768xf32, #tpu.memory_space<hbm>> -> memref<49408x768xf32, #tpu.memory_space<hbm>>
        tpu.enqueue_indirect_dma source(%dma_start3A_143 : memref<49408x768xf32, #tpu.memory_space<hbm>>) target(%arg10 : memref<32x768xf32, #tpu.memory_space<vmem>>) offsets(%dma_start3A_140 : memref<32xi32, #tpu.memory_space<vmem>>) semaphore(%arg13 : memref<!tpu.dma_semaphore, #tpu.memory_space<semaphore_mem>>)
        %ge3A_144 = arith.constant 1 : i32
        %ge3A_145 = arith.cmpi sge, %scan3A_119, %ge3A_144 : i32
        %convert_element_type3A_146 = arith.extui %ge3A_145 : i1 to i32
        %cond3A_147 = arith.constant 0 : i32
        %cond3A_148 = arith.cmpi ne, %convert_element_type3A_146, %cond3A_147 : i32
        scf.if %cond3A_148 {
          %sub3A_149 = arith.constant 1 : i32
          %sub3A_150 = arith.subi %scan3A_119, %sub3A_149 : i32
          %mul3A_151 = arith.constant 32 : i32
          %mul3A_152 = arith.muli %sub3A_150, %mul3A_151 : i32
          %dma_wait3A_153 = tpu.memref_slice %arg8[%mul3A_152] : memref<2464xi32, #tpu.memory_space<vmem>> -> memref<32xi32, #tpu.memory_space<vmem>>
          %dma_wait3A_154 = arith.constant 0 : i32
          %dma_wait3A_155 = arith.constant 0 : i32
          %dma_wait3A_156 = tpu.memref_slice %arg4[%dma_wait3A_154, %dma_wait3A_155] : memref<49408x768xf32, #tpu.memory_space<hbm>> -> memref<49408x768xf32, #tpu.memory_space<hbm>>
          tpu.wait_indirect_dma semaphore(%arg14 : memref<!tpu.dma_semaphore, #tpu.memory_space<semaphore_mem>>) src(%dma_wait3A_156 : memref<49408x768xf32, #tpu.memory_space<hbm>>) dst(%arg11 : memref<32x768xf32, #tpu.memory_space<vmem>>)
          %sub3A_157 = arith.constant 1 : i32
          %sub3A_158 = arith.subi %scan3A_119, %sub3A_157 : i32
          %add3A_159 = arith.addi %mul3A_2, %sub3A_158 : i32
          %jit3A_160 = arith.constant 32 : i32
          %div3A_161 = arith.divsi %add3A_159, %jit3A_160 : i32
          %sign3A_162 = arith.constant 0 : i32
          %sign3A_163 = arith.cmpi sgt, %add3A_159, %sign3A_162 : i32
          %sign3A_164 = arith.extui %sign3A_163 : i1 to i32
          %sign3A_165 = arith.constant 0 : i32
          %sign3A_166 = arith.cmpi slt, %add3A_159, %sign3A_165 : i32
          %sign3A_167 = arith.extui %sign3A_166 : i1 to i32
          %sign3A_168 = arith.subi %sign3A_164, %sign3A_167 : i32
          %sign3A_169 = arith.constant 0 : i32
          %sign3A_170 = arith.cmpi sgt, %jit3A_160, %sign3A_169 : i32
          %sign3A_171 = arith.extui %sign3A_170 : i1 to i32
          %sign3A_172 = arith.constant 0 : i32
          %sign3A_173 = arith.cmpi slt, %jit3A_160, %sign3A_172 : i32
          %sign3A_174 = arith.extui %sign3A_173 : i1 to i32
          %sign3A_175 = arith.subi %sign3A_171, %sign3A_174 : i32
          %ne3A_176 = arith.cmpi ne, %sign3A_168, %sign3A_175 : i32
          %rem3A_177 = arith.remsi %add3A_159, %jit3A_160 : i32
          %ne3A_178 = arith.constant 0 : i32
          %ne3A_179 = arith.cmpi ne, %rem3A_177, %ne3A_178 : i32
          %and3A_180 = arith.andi %ne3A_176, %ne3A_179 : i1
          %sub3A_181 = arith.constant 1 : i32
          %sub3A_182 = arith.subi %div3A_161, %sub3A_181 : i32
          %select_n3A_183 = arith.select %and3A_180, %sub3A_182, %div3A_161 : i32
          %mul3A_184 = arith.constant 1024 : i32
          %mul3A_185 = arith.muli %select_n3A_183, %mul3A_184 : i32
          %rem3A_186 = arith.constant 32 : i32
          %rem3A_187 = arith.remsi %add3A_159, %rem3A_186 : i32
          %mul3A_188 = arith.constant 32 : i32
          %mul3A_189 = arith.muli %rem3A_187, %mul3A_188 : i32
          %add3A_190 = arith.addi %mul3A_185, %mul3A_189 : i32
          %dma_start3A_191 = arith.constant 0 : i32
          %dma_start3A_192 = tpu.memref_slice %arg6[%add3A_190, %dma_start3A_191] : memref<78848x768xf32, #tpu.memory_space<hbm>> -> memref<32x768xf32, #tpu.memory_space<hbm>>
          %dma_start3A_193 = arith.constant 0 : i32
          %dma_start3A_194 = tpu.memref_slice %arg6[%add3A_190, %dma_start3A_193] : memref<78848x768xf32, #tpu.memory_space<hbm>> -> memref<32x768xf32, #tpu.memory_space<hbm>>
          tpu.enqueue_dma source(%arg11 : memref<32x768xf32, #tpu.memory_space<vmem>>) target(%dma_start3A_194 : memref<32x768xf32, #tpu.memory_space<hbm>>) target_semaphore(%arg16 : memref<!tpu.dma_semaphore, #tpu.memory_space<semaphore_mem>>)
        } else {
        }
      } else {
      }
      %eq3A_128 = arith.constant 1 : i32
      %eq3A_129 = arith.cmpi eq, %rem3A_122, %eq3A_128 : i32
      %convert_element_type3A_130 = arith.extui %eq3A_129 : i1 to i32
      %cond3A_131 = arith.constant 0 : i32
      %cond3A_132 = arith.cmpi ne, %convert_element_type3A_130, %cond3A_131 : i32
      scf.if %cond3A_132 {
        %ge3A = arith.constant 2 : i32
        %ge3A_134 = arith.cmpi sge, %scan3A_119, %ge3A : i32
        %convert_element_type3A_135 = arith.extui %ge3A_134 : i1 to i32
        %cond3A_136 = arith.constant 0 : i32
        %cond3A_137 = arith.cmpi ne, %convert_element_type3A_135, %cond3A_136 : i32
        scf.if %cond3A_137 {
          %sub3A_149 = arith.constant 2 : i32
          %sub3A_150 = arith.subi %scan3A_119, %sub3A_149 : i32
          %add3A_151 = arith.addi %mul3A_2, %sub3A_150 : i32
          %jit3A_152 = arith.constant 32 : i32
          %div3A_153 = arith.divsi %add3A_151, %jit3A_152 : i32
          %sign3A_154 = arith.constant 0 : i32
          %sign3A_155 = arith.cmpi sgt, %add3A_151, %sign3A_154 : i32
          %sign3A_156 = arith.extui %sign3A_155 : i1 to i32
          %sign3A_157 = arith.constant 0 : i32
          %sign3A_158 = arith.cmpi slt, %add3A_151, %sign3A_157 : i32
          %sign3A_159 = arith.extui %sign3A_158 : i1 to i32
          %sign3A_160 = arith.subi %sign3A_156, %sign3A_159 : i32
          %sign3A_161 = arith.constant 0 : i32
          %sign3A_162 = arith.cmpi sgt, %jit3A_152, %sign3A_161 : i32
          %sign3A_163 = arith.extui %sign3A_162 : i1 to i32
          %sign3A_164 = arith.constant 0 : i32
          %sign3A_165 = arith.cmpi slt, %jit3A_152, %sign3A_164 : i32
          %sign3A_166 = arith.extui %sign3A_165 : i1 to i32
          %sign3A_167 = arith.subi %sign3A_163, %sign3A_166 : i32
          %ne3A_168 = arith.cmpi ne, %sign3A_160, %sign3A_167 : i32
          %rem3A_169 = arith.remsi %add3A_151, %jit3A_152 : i32
          %ne3A_170 = arith.constant 0 : i32
          %ne3A_171 = arith.cmpi ne, %rem3A_169, %ne3A_170 : i32
          %and3A_172 = arith.andi %ne3A_168, %ne3A_171 : i1
          %sub3A_173 = arith.constant 1 : i32
          %sub3A_174 = arith.subi %div3A_153, %sub3A_173 : i32
          %select_n3A_175 = arith.select %and3A_172, %sub3A_174, %div3A_153 : i32
          %mul3A_176 = arith.constant 1024 : i32
          %mul3A_177 = arith.muli %select_n3A_175, %mul3A_176 : i32
          %rem3A_178 = arith.constant 32 : i32
          %rem3A_179 = arith.remsi %add3A_151, %rem3A_178 : i32
          %mul3A_180 = arith.constant 32 : i32
          %mul3A_181 = arith.muli %rem3A_179, %mul3A_180 : i32
          %add3A_182 = arith.addi %mul3A_177, %mul3A_181 : i32
          %dma_wait3A_183 = arith.constant 0 : i32
          %dma_wait3A_184 = tpu.memref_slice %arg6[%add3A_182, %dma_wait3A_183] : memref<78848x768xf32, #tpu.memory_space<hbm>> -> memref<32x768xf32, #tpu.memory_space<hbm>>
          %dma_wait3A_185 = arith.constant 0 : i32
          %dma_wait3A_186 = tpu.memref_slice %arg6[%add3A_182, %dma_wait3A_185] : memref<78848x768xf32, #tpu.memory_space<hbm>> -> memref<32x768xf32, #tpu.memory_space<hbm>>
          tpu.wait_dma2 semaphore(%arg16 : memref<!tpu.dma_semaphore, #tpu.memory_space<semaphore_mem>>) src(%arg11 : memref<32x768xf32, #tpu.memory_space<vmem>>) dst(%dma_wait3A_186 : memref<32x768xf32, #tpu.memory_space<hbm>>)
        } else {
        }
        %mul3A_138 = arith.constant 32 : i32
        %mul3A_139 = arith.muli %scan3A_119, %mul3A_138 : i32
        %dma_start3A_140 = tpu.memref_slice %arg8[%mul3A_139] : memref<2464xi32, #tpu.memory_space<vmem>> -> memref<32xi32, #tpu.memory_space<vmem>>
        %dma_start3A_141 = arith.constant 0 : i32
        %dma_start3A_142 = arith.constant 0 : i32
        %dma_start3A_143 = tpu.memref_slice %arg4[%dma_start3A_141, %dma_start3A_142] : memref<49408x768xf32, #tpu.memory_space<hbm>> -> memref<49408x768xf32, #tpu.memory_space<hbm>>
        tpu.enqueue_indirect_dma source(%dma_start3A_143 : memref<49408x768xf32, #tpu.memory_space<hbm>>) target(%arg11 : memref<32x768xf32, #tpu.memory_space<vmem>>) offsets(%dma_start3A_140 : memref<32xi32, #tpu.memory_space<vmem>>) semaphore(%arg14 : memref<!tpu.dma_semaphore, #tpu.memory_space<semaphore_mem>>)
        %ge3A_144 = arith.constant 1 : i32
        %ge3A_145 = arith.cmpi sge, %scan3A_119, %ge3A_144 : i32
        %convert_element_type3A_146 = arith.extui %ge3A_145 : i1 to i32
        %cond3A_147 = arith.constant 0 : i32
        %cond3A_148 = arith.cmpi ne, %convert_element_type3A_146, %cond3A_147 : i32
        scf.if %cond3A_148 {
          %sub3A_149 = arith.constant 1 : i32
          %sub3A_150 = arith.subi %scan3A_119, %sub3A_149 : i32
          %mul3A_151 = arith.constant 32 : i32
          %mul3A_152 = arith.muli %sub3A_150, %mul3A_151 : i32
          %dma_wait3A_153 = tpu.memref_slice %arg8[%mul3A_152] : memref<2464xi32, #tpu.memory_space<vmem>> -> memref<32xi32, #tpu.memory_space<vmem>>
          %dma_wait3A_154 = arith.constant 0 : i32
          %dma_wait3A_155 = arith.constant 0 : i32
          %dma_wait3A_156 = tpu.memref_slice %arg4[%dma_wait3A_154, %dma_wait3A_155] : memref<49408x768xf32, #tpu.memory_space<hbm>> -> memref<49408x768xf32, #tpu.memory_space<hbm>>
          tpu.wait_indirect_dma semaphore(%arg13 : memref<!tpu.dma_semaphore, #tpu.memory_space<semaphore_mem>>) src(%dma_wait3A_156 : memref<49408x768xf32, #tpu.memory_space<hbm>>) dst(%arg10 : memref<32x768xf32, #tpu.memory_space<vmem>>)
          %sub3A_157 = arith.constant 1 : i32
          %sub3A_158 = arith.subi %scan3A_119, %sub3A_157 : i32
          %add3A_159 = arith.addi %mul3A_2, %sub3A_158 : i32
          %jit3A_160 = arith.constant 32 : i32
          %div3A_161 = arith.divsi %add3A_159, %jit3A_160 : i32
          %sign3A_162 = arith.constant 0 : i32
          %sign3A_163 = arith.cmpi sgt, %add3A_159, %sign3A_162 : i32
          %sign3A_164 = arith.extui %sign3A_163 : i1 to i32
          %sign3A_165 = arith.constant 0 : i32
          %sign3A_166 = arith.cmpi slt, %add3A_159, %sign3A_165 : i32
          %sign3A_167 = arith.extui %sign3A_166 : i1 to i32
          %sign3A_168 = arith.subi %sign3A_164, %sign3A_167 : i32
          %sign3A_169 = arith.constant 0 : i32
          %sign3A_170 = arith.cmpi sgt, %jit3A_160, %sign3A_169 : i32
          %sign3A_171 = arith.extui %sign3A_170 : i1 to i32
          %sign3A_172 = arith.constant 0 : i32
          %sign3A_173 = arith.cmpi slt, %jit3A_160, %sign3A_172 : i32
          %sign3A_174 = arith.extui %sign3A_173 : i1 to i32
          %sign3A_175 = arith.subi %sign3A_171, %sign3A_174 : i32
          %ne3A_176 = arith.cmpi ne, %sign3A_168, %sign3A_175 : i32
          %rem3A_177 = arith.remsi %add3A_159, %jit3A_160 : i32
          %ne3A_178 = arith.constant 0 : i32
          %ne3A_179 = arith.cmpi ne, %rem3A_177, %ne3A_178 : i32
          %and3A_180 = arith.andi %ne3A_176, %ne3A_179 : i1
          %sub3A_181 = arith.constant 1 : i32
          %sub3A_182 = arith.subi %div3A_161, %sub3A_181 : i32
          %select_n3A_183 = arith.select %and3A_180, %sub3A_182, %div3A_161 : i32
          %mul3A_184 = arith.constant 1024 : i32
          %mul3A_185 = arith.muli %select_n3A_183, %mul3A_184 : i32
          %rem3A_186 = arith.constant 32 : i32
          %rem3A_187 = arith.remsi %add3A_159, %rem3A_186 : i32
          %mul3A_188 = arith.constant 32 : i32
          %mul3A_189 = arith.muli %rem3A_187, %mul3A_188 : i32
          %add3A_190 = arith.addi %mul3A_185, %mul3A_189 : i32
          %dma_start3A_191 = arith.constant 0 : i32
          %dma_start3A_192 = tpu.memref_slice %arg6[%add3A_190, %dma_start3A_191] : memref<78848x768xf32, #tpu.memory_space<hbm>> -> memref<32x768xf32, #tpu.memory_space<hbm>>
          %dma_start3A_193 = arith.constant 0 : i32
          %dma_start3A_194 = tpu.memref_slice %arg6[%add3A_190, %dma_start3A_193] : memref<78848x768xf32, #tpu.memory_space<hbm>> -> memref<32x768xf32, #tpu.memory_space<hbm>>
          tpu.enqueue_dma source(%arg10 : memref<32x768xf32, #tpu.memory_space<vmem>>) target(%dma_start3A_194 : memref<32x768xf32, #tpu.memory_space<hbm>>) target_semaphore(%arg15 : memref<!tpu.dma_semaphore, #tpu.memory_space<semaphore_mem>>)
        } else {
        }
      } else {
      }
      %scan3A_133 = arith.constant 0 : i32
      scf.yield %scan3A_133 : i32
    }
    %scan3A_12 = arith.constant 77 : i32
    %dma_wait3A = arith.constant 2432 : i32
    %dma_wait3A_13 = tpu.memref_slice %arg8[%dma_wait3A] : memref<2464xi32, #tpu.memory_space<vmem>> -> memref<32xi32, #tpu.memory_space<vmem>>
    %dma_wait3A_14 = arith.constant 0 : i32
    %dma_wait3A_15 = arith.constant 0 : i32
    %dma_wait3A_16 = tpu.memref_slice %arg4[%dma_wait3A_14, %dma_wait3A_15] : memref<49408x768xf32, #tpu.memory_space<hbm>> -> memref<49408x768xf32, #tpu.memory_space<hbm>>
    tpu.wait_indirect_dma semaphore(%arg13 : memref<!tpu.dma_semaphore, #tpu.memory_space<semaphore_mem>>) src(%dma_wait3A_16 : memref<49408x768xf32, #tpu.memory_space<hbm>>) dst(%arg10 : memref<32x768xf32, #tpu.memory_space<vmem>>)
    %add3A_17 = arith.constant 76 : i32
    %add3A_18 = arith.addi %mul3A_2, %add3A_17 : i32
    %jit3A = arith.constant 32 : i32
    %div3A = arith.divsi %add3A_18, %jit3A : i32
    %sign3A = arith.constant 0 : i32
    %sign3A_19 = arith.cmpi sgt, %add3A_18, %sign3A : i32
    %sign3A_20 = arith.extui %sign3A_19 : i1 to i32
    %sign3A_21 = arith.constant 0 : i32
    %sign3A_22 = arith.cmpi slt, %add3A_18, %sign3A_21 : i32
    %sign3A_23 = arith.extui %sign3A_22 : i1 to i32
    %sign3A_24 = arith.subi %sign3A_20, %sign3A_23 : i32
    %sign3A_25 = arith.constant 0 : i32
    %sign3A_26 = arith.cmpi sgt, %jit3A, %sign3A_25 : i32
    %sign3A_27 = arith.extui %sign3A_26 : i1 to i32
    %sign3A_28 = arith.constant 0 : i32
    %sign3A_29 = arith.cmpi slt, %jit3A, %sign3A_28 : i32
    %sign3A_30 = arith.extui %sign3A_29 : i1 to i32
    %sign3A_31 = arith.subi %sign3A_27, %sign3A_30 : i32
    %ne3A = arith.cmpi ne, %sign3A_24, %sign3A_31 : i32
    %rem3A = arith.remsi %add3A_18, %jit3A : i32
    %ne3A_32 = arith.constant 0 : i32
    %ne3A_33 = arith.cmpi ne, %rem3A, %ne3A_32 : i32
    %and3A = arith.andi %ne3A, %ne3A_33 : i1
    %sub3A = arith.constant 1 : i32
    %sub3A_34 = arith.subi %div3A, %sub3A : i32
    %select_n3A = arith.select %and3A, %sub3A_34, %div3A : i32
    %mul3A_35 = arith.constant 1024 : i32
    %mul3A_36 = arith.muli %select_n3A, %mul3A_35 : i32
    %rem3A_37 = arith.constant 32 : i32
    %rem3A_38 = arith.remsi %add3A_18, %rem3A_37 : i32
    %mul3A_39 = arith.constant 32 : i32
    %mul3A_40 = arith.muli %rem3A_38, %mul3A_39 : i32
    %add3A_41 = arith.addi %mul3A_36, %mul3A_40 : i32
    %dma_start3A = arith.constant 0 : i32
    %dma_start3A_42 = tpu.memref_slice %arg6[%add3A_41, %dma_start3A] : memref<78848x768xf32, #tpu.memory_space<hbm>> -> memref<32x768xf32, #tpu.memory_space<hbm>>
    %dma_start3A_43 = arith.constant 0 : i32
    %dma_start3A_44 = tpu.memref_slice %arg6[%add3A_41, %dma_start3A_43] : memref<78848x768xf32, #tpu.memory_space<hbm>> -> memref<32x768xf32, #tpu.memory_space<hbm>>
    tpu.enqueue_dma source(%arg10 : memref<32x768xf32, #tpu.memory_space<vmem>>) target(%dma_start3A_44 : memref<32x768xf32, #tpu.memory_space<hbm>>) target_semaphore(%arg15 : memref<!tpu.dma_semaphore, #tpu.memory_space<semaphore_mem>>)
    %add3A_45 = arith.constant 75 : i32
    %add3A_46 = arith.addi %mul3A_2, %add3A_45 : i32
    %jit3A_47 = arith.constant 32 : i32
    %div3A_48 = arith.divsi %add3A_46, %jit3A_47 : i32
    %sign3A_49 = arith.constant 0 : i32
    %sign3A_50 = arith.cmpi sgt, %add3A_46, %sign3A_49 : i32
    %sign3A_51 = arith.extui %sign3A_50 : i1 to i32
    %sign3A_52 = arith.constant 0 : i32
    %sign3A_53 = arith.cmpi slt, %add3A_46, %sign3A_52 : i32
    %sign3A_54 = arith.extui %sign3A_53 : i1 to i32
    %sign3A_55 = arith.subi %sign3A_51, %sign3A_54 : i32
    %sign3A_56 = arith.constant 0 : i32
    %sign3A_57 = arith.cmpi sgt, %jit3A_47, %sign3A_56 : i32
    %sign3A_58 = arith.extui %sign3A_57 : i1 to i32
    %sign3A_59 = arith.constant 0 : i32
    %sign3A_60 = arith.cmpi slt, %jit3A_47, %sign3A_59 : i32
    %sign3A_61 = arith.extui %sign3A_60 : i1 to i32
    %sign3A_62 = arith.subi %sign3A_58, %sign3A_61 : i32
    %ne3A_63 = arith.cmpi ne, %sign3A_55, %sign3A_62 : i32
    %rem3A_64 = arith.remsi %add3A_46, %jit3A_47 : i32
    %ne3A_65 = arith.constant 0 : i32
    %ne3A_66 = arith.cmpi ne, %rem3A_64, %ne3A_65 : i32
    %and3A_67 = arith.andi %ne3A_63, %ne3A_66 : i1
    %sub3A_68 = arith.constant 1 : i32
    %sub3A_69 = arith.subi %div3A_48, %sub3A_68 : i32
    %select_n3A_70 = arith.select %and3A_67, %sub3A_69, %div3A_48 : i32
    %mul3A_71 = arith.constant 1024 : i32
    %mul3A_72 = arith.muli %select_n3A_70, %mul3A_71 : i32
    %rem3A_73 = arith.constant 32 : i32
    %rem3A_74 = arith.remsi %add3A_46, %rem3A_73 : i32
    %mul3A_75 = arith.constant 32 : i32
    %mul3A_76 = arith.muli %rem3A_74, %mul3A_75 : i32
    %add3A_77 = arith.addi %mul3A_72, %mul3A_76 : i32
    %dma_wait3A_78 = arith.constant 0 : i32
    %dma_wait3A_79 = tpu.memref_slice %arg6[%add3A_77, %dma_wait3A_78] : memref<78848x768xf32, #tpu.memory_space<hbm>> -> memref<32x768xf32, #tpu.memory_space<hbm>>
    %dma_wait3A_80 = arith.constant 0 : i32
    %dma_wait3A_81 = tpu.memref_slice %arg6[%add3A_77, %dma_wait3A_80] : memref<78848x768xf32, #tpu.memory_space<hbm>> -> memref<32x768xf32, #tpu.memory_space<hbm>>
    tpu.wait_dma2 semaphore(%arg16 : memref<!tpu.dma_semaphore, #tpu.memory_space<semaphore_mem>>) src(%arg11 : memref<32x768xf32, #tpu.memory_space<vmem>>) dst(%dma_wait3A_81 : memref<32x768xf32, #tpu.memory_space<hbm>>)
    %add3A_82 = arith.constant 76 : i32
    %add3A_83 = arith.addi %mul3A_2, %add3A_82 : i32
    %jit3A_84 = arith.constant 32 : i32
    %div3A_85 = arith.divsi %add3A_83, %jit3A_84 : i32
    %sign3A_86 = arith.constant 0 : i32
    %sign3A_87 = arith.cmpi sgt, %add3A_83, %sign3A_86 : i32
    %sign3A_88 = arith.extui %sign3A_87 : i1 to i32
    %sign3A_89 = arith.constant 0 : i32
    %sign3A_90 = arith.cmpi slt, %add3A_83, %sign3A_89 : i32
    %sign3A_91 = arith.extui %sign3A_90 : i1 to i32
    %sign3A_92 = arith.subi %sign3A_88, %sign3A_91 : i32
    %sign3A_93 = arith.constant 0 : i32
    %sign3A_94 = arith.cmpi sgt, %jit3A_84, %sign3A_93 : i32
    %sign3A_95 = arith.extui %sign3A_94 : i1 to i32
    %sign3A_96 = arith.constant 0 : i32
    %sign3A_97 = arith.cmpi slt, %jit3A_84, %sign3A_96 : i32
    %sign3A_98 = arith.extui %sign3A_97 : i1 to i32
    %sign3A_99 = arith.subi %sign3A_95, %sign3A_98 : i32
    %ne3A_100 = arith.cmpi ne, %sign3A_92, %sign3A_99 : i32
    %rem3A_101 = arith.remsi %add3A_83, %jit3A_84 : i32
    %ne3A_102 = arith.constant 0 : i32
    %ne3A_103 = arith.cmpi ne, %rem3A_101, %ne3A_102 : i32
    %and3A_104 = arith.andi %ne3A_100, %ne3A_103 : i1
    %sub3A_105 = arith.constant 1 : i32
    %sub3A_106 = arith.subi %div3A_85, %sub3A_105 : i32
    %select_n3A_107 = arith.select %and3A_104, %sub3A_106, %div3A_85 : i32
    %mul3A_108 = arith.constant 1024 : i32
    %mul3A_109 = arith.muli %select_n3A_107, %mul3A_108 : i32
    %rem3A_110 = arith.constant 32 : i32
    %rem3A_111 = arith.remsi %add3A_83, %rem3A_110 : i32
    %mul3A_112 = arith.constant 32 : i32
    %mul3A_113 = arith.muli %rem3A_111, %mul3A_112 : i32
    %add3A_114 = arith.addi %mul3A_109, %mul3A_113 : i32
    %dma_wait3A_115 = arith.constant 0 : i32
    %dma_wait3A_116 = tpu.memref_slice %arg6[%add3A_114, %dma_wait3A_115] : memref<78848x768xf32, #tpu.memory_space<hbm>> -> memref<32x768xf32, #tpu.memory_space<hbm>>
    %dma_wait3A_117 = arith.constant 0 : i32
    %dma_wait3A_118 = tpu.memref_slice %arg6[%add3A_114, %dma_wait3A_117] : memref<78848x768xf32, #tpu.memory_space<hbm>> -> memref<32x768xf32, #tpu.memory_space<hbm>>
    tpu.wait_dma2 semaphore(%arg15 : memref<!tpu.dma_semaphore, #tpu.memory_space<semaphore_mem>>) src(%arg10 : memref<32x768xf32, #tpu.memory_space<vmem>>) dst(%dma_wait3A_118 : memref<32x768xf32, #tpu.memory_space<hbm>>)
    return
  }
}

module attributes {stable_mosaic.version = 14 : i64} {
  func.func @_add_body(%arg0: i32, %arg1: memref<1024x768xf32, #tpu.memory_space<vmem>>, %arg2: memref<80x768xf32, #tpu.memory_space<vmem>>, %arg3: memref<1x1024x768xf32, #tpu.memory_space<vmem>>) attributes {dimension_semantics = [#tpu.dimension_semantics<arbitrary>], iteration_bounds = array<i64: 77>, scalar_prefetch = 0 : i64, scratch_operands = 0 : i64, tpu.core_type = #tpu.core_type<tc>, window_params = [{transform_indices = @transform_0, window_bounds = array<i64: 1024, 768>}, {pipeline_mode = #tpu.pipeline_mode<synchronous>, transform_indices = @transform_1, window_bounds = array<i64: 80, 768>}, {transform_indices = @transform_2, window_bounds = array<i64: 1, 1024, 768>}]} {
    %get3A = arith.index_cast %arg0 : i32 to index
    %get3A_0 = arith.constant 0 : index
    %get3A_1 = vector.load %arg2[%get3A, %get3A_0] : memref<80x768xf32, #tpu.memory_space<vmem>>, vector<1x768xf32>
    %get3A_2 = vector.shape_cast %get3A_1 : vector<1x768xf32> to vector<768xf32>
    %get3A_3 = arith.constant 0 : index
    %get3A_4 = arith.constant 0 : index
    %get3A_5 = vector.load %arg1[%get3A_3, %get3A_4] : memref<1024x768xf32, #tpu.memory_space<vmem>>, vector<1024x768xf32>
    %broadcast_in_dim3A = vector.shape_cast %get3A_2 : vector<768xf32> to vector<1x768xf32>
    %add3A = vector.broadcast %broadcast_in_dim3A : vector<1x768xf32> to vector<1024x768xf32>
    %add3A_6 = arith.addf %get3A_5, %add3A : vector<1024x768xf32>
    %broadcast_in_dim3A_7 = vector.shape_cast %add3A_6 : vector<1024x768xf32> to vector<1x1024x768xf32>
    %swap3A = arith.constant 0 : index
    %swap3A_8 = arith.constant 0 : index
    %swap3A_9 = arith.constant 0 : index
    %swap3A_10 = vector.load %arg3[%swap3A, %swap3A_8, %swap3A_9] : memref<1x1024x768xf32, #tpu.memory_space<vmem>>, vector<1x1024x768xf32>
    tpu.vector_store %arg3[%swap3A, %swap3A_8, %swap3A_9], %broadcast_in_dim3A_7 {strides = array<i32>} : memref<1x1024x768xf32, #tpu.memory_space<vmem>>, vector<1x1024x768xf32>,
    return
  }
  func.func @transform_0(%arg0: i32) -> (i32, i32) {
    %c0_i32 = arith.constant 0 : i32
    %c0_i32_0 = arith.constant 0 : i32
    return %arg0, %c0_i32 : i32, i32
  }
  func.func @transform_1(%arg0: i32) -> (i32, i32) {
    %c0_i32 = arith.constant 0 : i32
    %c0_i32_0 = arith.constant 0 : i32
    %c0_i32_1 = arith.constant 0 : i32
    return %c0_i32, %c0_i32_0 : i32, i32
  }
  func.func @transform_2(%arg0: i32) -> (i32, i32, i32) {
    %c0_i32 = arith.constant 0 : i32
    %c0_i32_0 = arith.constant 0 : i32
    %c0_i32_1 = arith.constant 0 : i32
    return %arg0, %c0_i32, %c0_i32_0 : i32, i32, i32
  }
}

</mosaic_0001>

<sc_bundles>
// kernel: kernel.4.cloned.1.call-start
scs
__scs_entry_jumppad:
0x0: {  	(pc) =	sbr.rel $0x88, $3  }
0x1: {  	(tag) =	ssettag $0x0;
	lr =	simm.s32 $0x1  }
0x2: {  	[smem:$0x3F9D] =	sst lr;
	_ =	strace $0xD0000000  }
0x3: {  	_ = 	snop  }
0x4: {  	_ = 	snop  }
0x5: {  	_ = 	snop  }
0x6: {  	_ = 	snop  }
0x7: {  	_ = 	snop  }
__scs_overlays_trampoline_lowered:
0x8: {  	[smem:$0x3FAC] =	sst s0  }
0x9: {  	[smem:$0x3FAD] =	sst s1  }
0xa: {  	[smem:$0x3FAE] =	sst s2  }
0xb: {  	[smem:$0x3FAF] =	sst s3  }
0xc: {  	[smem:$0x3FB0] =	sst s4  }
0xd: {  	[smem:$0x3FB1] =	sst s5  }
0xe: {  	[smem:$0x3FB2] =	sst s6  }
0xf: {  	[smem:$0x3FB3] =	sst s7  }
0x10: {  	[smem:$0x3FB4] =	sst s8  }
0x11: {  	[smem:$0x3FB5] =	sst s9;
	s0 =	simm.s32 @!p0 $0x0  }
0x12: {  	s1 =	sld [smem:$0x3F9B];
	s0 =	simm.s32 @p0 $0x1  }
0x13: {  	[smem:$0x3FB6] =	sst s0;
	s0 =	simm.s32 @!p1 $0x0  }
0x14: {  	s2 =	sld [smem:$0x3F9A];
	s0 =	simm.s32 @p1 $0x1  }
0x15: {  	[smem:$0x3FB7] =	sst s0;
	s0 =	simm.s32 @!p2 $0x0  }
0x16: {  	s3 =	sld [smem:$0x3FDB];
	s0 =	simm.s32 @p2 $0x1  }
0x17: {  	s4 =	simm.s32 $0x1BF5;
	[smem:$0x3FB9] =	sst s0  }
0x18: {  	s0 =	sld [smem:$0x3F9C];
	_ =	swait.ge [sflag:s4], $0x0  }
0x19: {  	s7 =	sld [smem:$0x3F9D]  }
0x1a: {  	s8 =	sadd.s32 $0xFFFFE003, lr  }
0x1b: {  	s9 =	sadd.s32 $0xFFFFFEF7, lr;
	s5 =	simm.s32 $0xFFFFFFFF;
	p2 =	slt.u32 s8, $0xFFFFF086  }
0x1c: {  	p1 =	slt.u32 s9, $0xF7A;
	s5 =	simm.s32 @!p2 $0x0  }
0x1d: {  	s5 =	simm.s32 @p1 $0x1;
	p0 =	seq.s32 s7, s2  }
0x1e: {  	s7 =	smul.u32 @!p0 $0xF7A, s2;
	p2 =	seq.s32 @!p0 s5, $0x0  }
0x1f: {  	s9 =	smul.u32 $0xF7A, s1;
	s8 =	simm.s32 @!p0 $0x1BF5;
	p2 =	por !p2, p0  }
0x20: {  	[sflag:s8] =	ssyncset.s32 @!p0 $0xFFFFF086;
	s6 =	sadd.s32 @!p0 s3, s7;
	s7 =	simm.s32 @!p0 $0x108  }
0x21: {  	s3 =	sadd.s32 s3, s9;
	s6 =	sadd.s32 @!p0 $0x88, s6;
	s7 =	simm.s32 @p2 $0x1082  }
0x22: {  	[simem:s7], [sflag:s8] =	dma.local @!p0 [hbm:s6], $0xF7A  }
0x23: {  	s9 =	sor.u32 $0xD0000000, s2;
	s6 =	simm.s32 $0x108;
	_ =	swait.ge @!p0 [sflag:s8], $0x0  }
0x24: {  	s3 =	sadd.s32 $0x88, s3;
	s6 =	simm.s32 @!p1 $0x1082;
	[sflag:s4] =	ssyncset.s32 $0xFFFFF086  }
0x25: {  	[simem:s6], [sflag:s4] =	dma.local [hbm:s3], $0xF7A  }
0x26: {  	[smem:$0x3F9D] =	sst s1;
	(tag) =	ssettag s2;
	_ =	strace s9  }
0x27: {  	s1 =	sld [smem:$0x3FAD]  }
0x28: {  	s2 =	sld [smem:$0x3FAE]  }
0x29: {  	s4 =	sld [smem:$0x3FB0]  }
0x2a: {  	p0 =	seq.s32 s5, $0x0;
	s5 =	sld [smem:$0x3FB1]  }
0x2b: {  	s6 =	sld [smem:$0x3FB2]  }
0x2c: {  	s7 =	sld [smem:$0x3FB3]  }
0x2d: {  	s3 =	simm.s32 $0x108;
	s8 =	sld [smem:$0x3FB4]  }
0x2e: {  	s3 =	simm.s32 @!p0 $0x1082;
	s9 =	sld [smem:$0x3FB5]  }
0x2f: {  	lr =	sadd.s32 s0, s3;
	s0 =	sld [smem:$0x3FAC]  }
0x30: {  	s3 =	sld [smem:$0x3FAF]  }
0x31: {  	[smem:$0x3FB8] =	sst s10  }
0x32: {  	s10 =	sld [smem:$0x3FB6];
	_ =	sdelay $0x3  }
0x33: {  	p0 =	seq.s32 s10, $0x1;
	s10 =	sld [smem:$0x3FB8];
	_ =	sdelay $0x3  }
0x34: {  	[smem:$0x3FB8] =	sst s10  }
0x35: {  	s10 =	sld [smem:$0x3FB7];
	_ =	sdelay $0x3  }
0x36: {  	p1 =	seq.s32 s10, $0x1;
	s10 =	sld [smem:$0x3FB8];
	_ =	sdelay $0x3  }
0x37: {  	[smem:$0x3FB8] =	sst s10  }
0x38: {  	s10 =	sld [smem:$0x3FB9]  }
0x39: {  	_ = 	snop;
	(pc) =	sbr.ind lr, $3  }
0x3a: {  	_ = 	snop  }
0x3b: {  	_ = 	snop  }
0x3c: {  	p2 =	seq.s32 s10, $0x1;
	s10 =	sld [smem:$0x3FB8]  }
0x3d: {  	_ =	shalt  }
0x3e: {  	_ =	shalt  }
0x3f: {  	_ =	shalt  }
0x40: {  	_ =	shalt  }
0x41: {  	_ =	shalt  }
0x42: {  	_ =	shalt  }
0x43: {  	_ =	shalt  }
0x44: {  	_ =	shalt  }
0x45: {  	_ =	shalt  }
0x46: {  	_ =	shalt  }
0x47: {  	_ =	shalt  }
0x48: {  	_ =	shalt  }
0x49: {  	_ =	shalt  }
0x4a: {  	_ =	shalt  }
0x4b: {  	_ =	shalt  }
0x4c: {  	_ =	shalt  }
0x4d: {  	_ =	shalt  }
0x4e: {  	_ =	shalt  }
0x4f: {  	_ =	shalt  }
0x50: {  	_ =	shalt  }
0x51: {  	_ =	shalt  }
0x52: {  	_ =	shalt  }
0x53: {  	_ =	shalt  }
0x54: {  	_ =	shalt  }
0x55: {  	_ =	shalt  }
0x56: {  	_ =	shalt  }
0x57: {  	_ =	shalt  }
0x58: {  	_ =	shalt  }
0x59: {  	_ =	shalt  }
0x5a: {  	_ =	shalt  }
0x5b: {  	_ =	shalt  }
0x5c: {  	_ =	shalt  }
0x5d: {  	_ =	shalt  }
0x5e: {  	_ =	shalt  }
0x5f: {  	_ =	shalt  }
0x60: {  	_ =	shalt  }
0x61: {  	_ =	shalt  }
0x62: {  	_ =	shalt  }
0x63: {  	_ =	shalt  }
0x64: {  	_ =	shalt  }
0x65: {  	_ =	shalt  }
0x66: {  	_ =	shalt  }
0x67: {  	_ =	shalt  }
0x68: {  	_ =	shalt  }
0x69: {  	_ =	shalt  }
0x6a: {  	_ =	shalt  }
0x6b: {  	_ =	shalt  }
0x6c: {  	_ =	shalt  }
0x6d: {  	_ =	shalt  }
0x6e: {  	_ =	shalt  }
0x6f: {  	_ =	shalt  }
0x70: {  	_ =	shalt  }
0x71: {  	_ =	shalt  }
0x72: {  	_ =	shalt  }
0x73: {  	_ =	shalt  }
0x74: {  	_ =	shalt  }
0x75: {  	_ =	shalt  }
0x76: {  	_ =	shalt  }
0x77: {  	_ =	shalt  }
0x78: {  	_ =	shalt  }
0x79: {  	_ =	shalt  }
0x7a: {  	_ =	shalt  }
0x7b: {  	_ =	shalt  }
0x7c: {  	_ =	shalt  }
0x7d: {  	_ =	shalt  }
0x7e: {  	_ =	shalt  }
0x7f: {  	_ =	shalt  }
0x80: {  	_ =	shalt  }
0x81: {  	_ =	shalt  }
0x82: {  	_ =	shalt  }
0x83: {  	_ =	shalt  }
0x84: {  	_ =	shalt  }
0x85: {  	_ =	shalt  }
0x86: {  	_ =	shalt  }
0x87: {  	_ =	shalt  }
.Lfunc_end0:
.L_simem_size_0:
called_computation_lowered:
.L_overlay_start_0:
0x88: {  	s2 =	sld [smem:$0x3FD9]  }
0x89: {  	s3 =	sld [smem:$0x3FFE];
	_ =	sdelay $0x1  }
0x8a: {  	s1 =	srdreg.scid  }
0x8b: {  	s0 =	sand.u32 $0x1, s1  }
0x8c: {  	s17 =	sshll.u32 s0, $0xA;
	s2 =	sadd.s32 s3, s2  }
0x8d: {  	s2 =	sadd.s32 s2, s17  }
0x8e: {  	[smem:$0x3FC4] =	sst s2  }
0x8f: {  	_ = 	snop  }
0x90: {  	s2 =	sld [smem:$0x3FC7]  }
0x91: {  	s18 =	sld [smem:$0x3FC6]  }
0x92: {  	s4 =	sld [smem:$0x3FD0];
	(tm) =	ssettm $0x1  }
0x93: {  	s5 =	sld [smem:$0x3FFB];
	_ =	sdelay $0x3  }
0x94: {  	_ =	strace s5  }
0x95: {  	s5 =	sld [smem:$0x3FFC];
	_ =	sdelay $0x3  }
0x96: {  	_ =	strace s5  }
0x97: {  	s5 =	sld [smem:$0x3FFD];
	_ =	sdelay $0x3  }
0x98: {  	_ =	strace s5  }
0x99: {  	_ =	strace $0x8FFFFFFF  }
0x9a: {  	s19 =	sld [smem:$0x3FDB];
	_ =	sdelay $0x1  }
0x9b: {  	s6 =	simm.s32 $_scs_section_size  }
0x9c: {  	s7 =	simm.s32 $_size__tile_overlayer_lowered;
	s8 =	simm.s32 $_tile_overlayer_lowered  }
0x9d: {  	s22 =	simm.s32 $0x1BFF;
	s21 =	sshll.u32 s8, $0x1;
	s5 =	sadd.s32 s6, s19  }
0x9e: {  	s9 =	simm.s32 $0x0;
	s20 =	sshll.u32 s7, $0x1;
	s7 =	sadd.s32 s21, s5  }
0x9f: {  	[timem:s9], [sflag:s22] =	dma.local [hbm:s7], s20  }
0xa0: {  	_ =	swait.ge [sflag:s22], s20  }
0xa1: {  	s6 =	ssub.s32 $0x0, s20;
	[sflag:s22] =	ssyncset.done $0x0  }
0xa2: {  	[sflag:s22] =	ssyncadd.s32 s6;
	_ =	sdelay $0x1  }
0xa3: {  	s23 =	simm.s32 $0x1B8B  }
0xa4: {  	_ =	swait.ge [sflag:s23], $0x1  }
0xa5: {  	[sflag:s23] =	ssyncset.done $0x0  }
0xa6: {  	s25 =	simm.s32 $0x1B8E;
	s24 =	sld [smem:$0x3FFE];
	[sflag:s23] =	ssyncadd.s32 $0xFFFFFFFF  }
0xa7: {  	s26 =	simm.s32 $execute0_lowered;
	[smem:$0x3FD2] =	sst s25  }
0xa8: {  	s7 =	sshll.u32 s26, $0x1;
	_ =	strace $0x80000046;
	[dreg:$0x1] =	wrdreg $0xFFFFFFFF  }
0xa9: {  	s28 =	simm.s32 $_size_execute0_lowered;
	s5 =	sadd.s32 s5, s7;
	[dreg:$0x0] =	wrdreg $0x0  }
0xaa: {  	s7 =	sshll.u32 s28, $0x1;
	[dreg:$0x2] =	wrdreg s5  }
0xab: {  	[dreg:$0x3] =	wrdreg s7  }
0xac: {  	[dreg:$0x4] =	wrdreg $0xC0  }
0xad: {  	_ =	task [dreg:s9], $0x5FFFF  }
0xae: {  	[dreg:$0x1] =	wrdreg $0xFFFFFFFF  }
0xaf: {  	[dreg:$0x0] =	wrdreg $0x60  }
0xb0: {  	[dreg:$0x2] =	wrdreg s4  }
0xb1: {  	[dreg:$0x3] =	wrdreg s24  }
0xb2: {  	[dreg:$0x4] =	wrdreg s2  }
0xb3: {  	[dreg:$0x5] =	wrdreg s18  }
0xb4: {  	[dreg:$0x6] =	wrdreg $0x9  }
0xb5: {  	_ =	task.clear_ibuf [dreg:s9], $0x7FFFF;
	_ =	strace $0x90000046  }
0xb6: {  	s29 =	simm.s32 $0x9;
	_ =	strace $0x80000048  }
0xb7: {  	_ =	swait.ge [sflag:s29], $0x1  }
0xb8: {  	[sflag:s29] =	ssyncadd.s32 $0xFFFFFFFF  }
0xb9: {  	_ =	strace $0x90000048  }
0xba: {  	_ =	sfence  }
0xbb: {  	s30 =	sld [smem:$0x0];
	_ =	sdelay $0x2  }
0xbc: {  	s31 =	sshll.u32 s1, $0xD;
	s1 =	sshrl.u32 s1, $0x2  }
0xbd: {  	s3 =	sand.u32 $0x4000, s31;
	s1 =	sadd.s32 s1, s30  }
0xbe: {  	s0 =	sor.u32 s3, s0;
	s1 =	sshll.u32 s1, $0x11  }
0xbf: {  	s0 =	sor.u32 s1, s0  }
0xc0: {  	s0 =	sadd.s32 $0x8F2B, s0  }
0xc1: {  	[sflag:s0] =	ssyncadd.remote.s32 $0x1  }
0xc2: {  	_ =	sfence.sel $0xFFFF  }
0xc3: {  	[dreg:$0x0] =	wrdreg $0xFFFFFFFF;
	(pc) =	sbr.abs _section_cstart, $3  }
0xc4: {  	[dreg:$0x1] =	wrdreg $0xFFFFFFFF  }
0xc5: {  	_ =	task.clear_ibuf [dreg:s9], $0x2FFFF;
	_ =	strace $0x9FFFFFFF  }
0xc6: {  	(tm) =	ssettm $0x7FFFFFFF  }
0xc7: {  	_ =	shalt  }
tec
execute0_lowered:
.L_overlay_start_1:
0x0: {  	(tag) =	ssettag $0x1  }
0x1: {  	s0 =	rddreg [dreg:$0x0]  }
0x2: {  	s1 =	rddreg [dreg:$0x1]  }
0x3: {  	s2 =	rddreg [dreg:$0x2];
	s3 =	srdreg.scid  }
0x4: {  	s11 =	stileid.u32;
	s12 =	rddreg [dreg:$0x3];
	s4 =	simm.s32 $0x0  }
0x5: {  	s17 =	simm.s32 $0x1;
	s28 =	simm.s32 $0xAA80;
	s29 =	simm.s32 $0xB280  }
0x6: {  	s30 =	simm.s32 $0xBA80;
	s31 =	simm.s32 $0xC280;
	s18 =	simm.s32 $0x1A80  }
0x7: {  	s13 =	simm.s32 $0x2A80;
	s14 =	simm.s32 $0x3280;
	s16 =	simm.s32 $0x5280  }
0x8: {  	s3 =	sand.u32 $0x1, s3;
	s5 =	sshll.u32 s11, $0x1;
	[smem:$0x7FF] =	sst s4  }
0x9: {  	s7 =	sadd.s32 $0xA00, s1;
	s22 =	smul.u32 $0x9A, s11;
	s23 =	sadd.s32 $0x100, s12  }
0xa: {  	s25 =	sadd.s32 $0x200, s12;
	s11 =	sadd.s32 $0x100, s2;
	s12 =	sadd.s32 $0x200, s2  }
0xb: {  	s5 =	sor.u32 s3, s5;
	_ =	strace $0x80000047;
	[dreg:$0x5] =	wrdreg s7  }
0xc: {  	s20 =	ssub.s32 $0x2, s3;
	[dreg:$0x8] =	wrdreg s23;
	s24 =	smul.u32 $0x4D, s3  }
0xd: {  	[dreg:$0x9] =	wrdreg s25;
	s25 =	simm.s32 $0x9A80;
	s6 =	smul.u32 $0x9A0, s5  }
0xe: {  	s7 =	simm.s32 $0x1280;
	s8 =	smul.u32 $0x134, s5;
	s10 =	sshrl.u32 s20, $0x1  }
0xf: {  	p0 =	sne.s32 s5, $0x0;
	s5 =	simm.s32 $0x4A80;
	s21 =	ssub.s32 s20, s10  }
0x10: {  	s9 =	sshrl.u32 s6, $0x3;
	s6 =	sadd.s32 $0x2A00, s1;
	s1 =	sadd.s32 $0xC00, s1  }
0x11: {  	s10 =	simm.s32 $0x6280;
	s0 =	sadd.s32 s0, s8;
	[dreg:$0x6] =	wrdreg s1  }
0x12: {  	s8 =	simm.s32 $0x2280;
	s9 =	smul.u32 $0x300, s9;
	[dreg:$0x7] =	wrdreg s0  }
.Ltmp0:
0x13: {  	s0 =	sadd.s32 s24, s22;
	s1 =	smax.u32 s21, $0x1;
	(pc) =	sbr.rel .LBB2_1-.Ltmp0, $4  }
0x14: {  	s24 =	simm.s32 $0x9280;
	s21 =	simm.s32 $0x0;
	[dreg:$0xb] =	wrdreg s1  }
0x15: {  	v2 =	vlaneseq.u32;
	s15 =	sadd.s32 $0xFFFFFFFF, s0;
	s1 =	simm.s32 $0xA80;
	s26 =	sadd.s32 s6, s9  }
0x16: {  	vm0 =	vmmov $0xffff;
	v1 =	vshrl.u32 v2, $0x3;
	s0 =	simm.s32 $0x4280;
	s9 =	simm.s32 $0x5A80;
	s3 =	sadd.s32 $0x39000, s26  }
0x17: {  	v0 =	vand.u32 $0x7, v2;
	v2 =	vor.u32 $0x8, v2;
	v1 =	vmul.u32 $0x8, v1;
	s26 =	simm.s32 $0xA280;
	[dreg:$0xa] =	wrdreg s3;
	s3 =	simm.s32 $0x3A80  }
.LBB2_8:
0x18: {  	_ =	swait.ge [sflag:s17], $0x6000  }
0x19: {  	[sflag:s17] =	ssyncset.done $0x0  }
0x1a: {  	s22 =	simm.s32 $0x4;
	s19 =	rddreg [dreg:$0xa];
	[sflag:s17] =	ssyncadd.s32 $0xFFFFA000  }
0x1b: {  	[hbm4b:s19+s4] =	stream.linear.scatter [tilespmem:s1], [sflag:$0x3], $0x6000, $0x38;
	[tilespmem:$0x1BA80] =	vst v63  }
0x1c: {  	_ =	swait.ge [sflag:s22], $0x6000  }
0x1d: {  	[sflag:s22] =	ssyncset.done $0x0  }
0x1e: {  	s20 =	simm.s32 $0x3;
	[sflag:s22] =	ssyncadd.s32 $0xFFFFA000  }
0x1f: {  	_ =	swait.ge [sflag:s20], $0x6000  }
0x20: {  	s21 =	rddreg [dreg:$0xc]  }
0x21: {  	s23 =	rddreg [dreg:$0xb];
	s21 =	sadd.s32 $0x1, s21  }
0x22: {  	p1 =	sne.s32 s21, s23  }
.Ltmp1:
0x23: {  	_ = 	snop;
	(pc) =	sbr.rel @!p1 .LBB2_9-.Ltmp1, $3  }
0x24: {  	_ =	sdelay $0x1  }
0x25: {  	[sflag:s20] =	ssyncset.done $0x0  }
0x26: {  	[sflag:s20] =	ssyncadd.s32 $0xFFFFA000  }
.LBB2_1:
0x27: {  	[dreg:$0xc] =	wrdreg s21  }
.Ltmp2:
0x28: {  	s19 =	rddreg [dreg:$0x7];
	s23 =	simm.s32 $0x5;
	(pc) =	sbr.rel @p0 .LBB2_3-.Ltmp2, $4  }
0x29: {  	[tilespmem:s4], [sflag:$0x5] =	stream.linear.gather [hbm4b:s19+s4], $0x9A0, $0x38;
	[tilespmem:$0x1BA80] =	vst v63  }
0x2a: {  	_ =	swait.ge [sflag:s23], $0x9A0  }
0x2b: {  	[sflag:s23] =	ssyncset.done $0x0  }
0x2c: {  	[sflag:s23] =	ssyncadd.s32 $0xFFFFF660  }
0x2d: {  	s19 =	rddreg [dreg:$0x5];
	s20 =	simm.s32 $0xA00;
	s22 =	simm.s32 $0x5  }
0x2e: {  	[tilespmem:s20], [sflag:$0x5] =	stream.linear.gather [hbm4b:s19+s4], $0x80, $0x38;
	[tilespmem:$0x1BA80] =	vst v63  }
0x2f: {  	_ =	swait.ge [sflag:s22], $0x80  }
0x30: {  	[sflag:s22] =	ssyncset.done $0x0  }
0x31: {  	[sflag:s22] =	ssyncadd.s32 $0xFFFFFF80  }
0x32: {  	v3 =	vld [tilespmem:$0xA00];
	_ =	sdelay $0x4  }
0x33: {  	v4 =	vshrl.u32 v3, $0x3  }
0x34: {  	v4 =	vmul.u32 $0x30, v4  }
0x35: {  	v3 =	vand.u32 $0x7, v3  }
0x36: {  	v3 =	vor.u32 v3, v4  }
0x37: {  	v4 =	vperm.xlane v3, v0;
	_ =	sdelay $0x1  }
0x38: {  	v4 =	vadd.s32 v1, v4;
	_ =	sdelay $0x3  }
0x39: {  	s21 =	simm.s32 $0xCA80;
	s19 =	rddreg [dreg:$0x3];
	v3 =	vperm.xlane v3, v2  }
0x3a: {  	[tilespmem:s21], [sflag:$0x1] =	stream.indirect_vreg.gather [hbm4b:s19+s4], $0x80, v4, vm0, $0xb8;
	[tilespmem:$0x1BA80] =	vst v63  }
0x3b: {  	s20 =	rddreg [dreg:$0x8];
	v3 =	vadd.s32 v1, v3;
	s21 =	simm.s32 $0xD280  }
0x3c: {  	[tilespmem:s21], [sflag:$0x1] =	stream.indirect_vreg.gather [hbm4b:s20+s4], $0x80, v4, vm0, $0xb8;
	[tilespmem:$0x1BA80] =	vst v63  }
0x3d: {  	s23 =	simm.s32 $0xDA80;
	s21 =	rddreg [dreg:$0x9]  }
0x3e: {  	[tilespmem:s23], [sflag:$0x1] =	stream.indirect_vreg.gather [hbm4b:s21+s4], $0x80, v4, vm0, $0xb8;
	[tilespmem:$0x1BA80] =	vst v63  }
0x3f: {  	s23 =	simm.s32 $0xE280  }
0x40: {  	[tilespmem:s23], [sflag:$0x1] =	stream.indirect_vreg.gather [hbm4b:s19+s4], $0x80, v3, vm0, $0xb8;
	[tilespmem:$0x1BA80] =	vst v63  }
0x41: {  	s23 =	simm.s32 $0xEA80  }
0x42: {  	[tilespmem:s23], [sflag:$0x1] =	stream.indirect_vreg.gather [hbm4b:s20+s4], $0x80, v3, vm0, $0xb8;
	[tilespmem:$0x1BA80] =	vst v63  }
0x43: {  	s23 =	simm.s32 $0xF280  }
0x44: {  	[tilespmem:s23], [sflag:$0x1] =	stream.indirect_vreg.gather [hbm4b:s21+s4], $0x80, v3, vm0, $0xb8;
	[tilespmem:$0x1BA80] =	vst v63  }
0x45: {  	v3 =	vld [tilespmem:$0xA10];
	_ =	sdelay $0x4  }
0x46: {  	v60 =	vshrl.u32 v3, $0x3  }
0x47: {  	v4 =	vmul.u32 $0x30, v60  }
0x48: {  	v3 =	vand.u32 $0x7, v3  }
0x49: {  	v3 =	vor.u32 v3, v4  }
0x4a: {  	v4 =	vperm.xlane v3, v0;
	_ =	sdelay $0x1  }
0x4b: {  	v4 =	vadd.s32 v1, v4;
	_ =	sdelay $0x3  }
0x4c: {  	s23 =	simm.s32 $0xFA80;
	v3 =	vperm.xlane v3, v2  }
0x4d: {  	[tilespmem:s23], [sflag:$0x1] =	stream.indirect_vreg.gather [hbm4b:s19+s4], $0x80, v4, vm0, $0xb8;
	[tilespmem:$0x1BA80] =	vst v63  }
0x4e: {  	v3 =	vadd.s32 v1, v3;
	s23 =	simm.s32 $0x10280  }
0x4f: {  	[tilespmem:s23], [sflag:$0x1] =	stream.indirect_vreg.gather [hbm4b:s20+s4], $0x80, v4, vm0, $0xb8;
	[tilespmem:$0x1BA80] =	vst v63  }
0x50: {  	s23 =	simm.s32 $0x10A80  }
0x51: {  	[tilespmem:s23], [sflag:$0x1] =	stream.indirect_vreg.gather [hbm4b:s21+s4], $0x80, v4, vm0, $0xb8;
	[tilespmem:$0x1BA80] =	vst v63  }
0x52: {  	s23 =	simm.s32 $0x11280  }
0x53: {  	[tilespmem:s23], [sflag:$0x1] =	stream.indirect_vreg.gather [hbm4b:s19+s4], $0x80, v3, vm0, $0xb8;
	[tilespmem:$0x1BA80] =	vst v63  }
0x54: {  	s23 =	simm.s32 $0x11A80  }
0x55: {  	[tilespmem:s23], [sflag:$0x1] =	stream.indirect_vreg.gather [hbm4b:s20+s4], $0x80, v3, vm0, $0xb8;
	[tilespmem:$0x1BA80] =	vst v63  }
0x56: {  	s23 =	simm.s32 $0x12280  }
0x57: {  	[tilespmem:s23], [sflag:$0x1] =	stream.indirect_vreg.gather [hbm4b:s21+s4], $0x80, v3, vm0, $0xb8;
	[tilespmem:$0x1BA80] =	vst v63  }
0x58: {  	v3 =	vld [tilespmem:$0xA20];
	_ =	sdelay $0x4  }
0x59: {  	v61 =	vshrl.u32 v3, $0x3  }
0x5a: {  	v4 =	vmul.u32 $0x30, v61  }
0x5b: {  	v3 =	vand.u32 $0x7, v3  }
0x5c: {  	v3 =	vor.u32 v3, v4  }
0x5d: {  	v4 =	vperm.xlane v3, v0;
	_ =	sdelay $0x1  }
0x5e: {  	v4 =	vadd.s32 v1, v4;
	_ =	sdelay $0x3  }
0x5f: {  	s23 =	simm.s32 $0x12A80;
	v3 =	vperm.xlane v3, v2  }
0x60: {  	[tilespmem:s23], [sflag:$0x1] =	stream.indirect_vreg.gather [hbm4b:s19+s4], $0x80, v4, vm0, $0xb8;
	[tilespmem:$0x1BA80] =	vst v63  }
0x61: {  	v3 =	vadd.s32 v1, v3;
	s23 =	simm.s32 $0x13280  }
0x62: {  	[tilespmem:s23], [sflag:$0x1] =	stream.indirect_vreg.gather [hbm4b:s20+s4], $0x80, v4, vm0, $0xb8;
	[tilespmem:$0x1BA80] =	vst v63  }
0x63: {  	s23 =	simm.s32 $0x13A80  }
0x64: {  	[tilespmem:s23], [sflag:$0x1] =	stream.indirect_vreg.gather [hbm4b:s21+s4], $0x80, v4, vm0, $0xb8;
	[tilespmem:$0x1BA80] =	vst v63  }
0x65: {  	s23 =	simm.s32 $0x14280  }
0x66: {  	[tilespmem:s23], [sflag:$0x1] =	stream.indirect_vreg.gather [hbm4b:s19+s4], $0x80, v3, vm0, $0xb8;
	[tilespmem:$0x1BA80] =	vst v63  }
0x67: {  	s23 =	simm.s32 $0x14A80  }
0x68: {  	[tilespmem:s23], [sflag:$0x1] =	stream.indirect_vreg.gather [hbm4b:s20+s4], $0x80, v3, vm0, $0xb8;
	[tilespmem:$0x1BA80] =	vst v63  }
0x69: {  	s23 =	simm.s32 $0x15280  }
0x6a: {  	[tilespmem:s23], [sflag:$0x1] =	stream.indirect_vreg.gather [hbm4b:s21+s4], $0x80, v3, vm0, $0xb8;
	[tilespmem:$0x1BA80] =	vst v63  }
0x6b: {  	v3 =	vld [tilespmem:$0xA30];
	_ =	sdelay $0x4  }
0x6c: {  	v62 =	vshrl.u32 v3, $0x3  }
0x6d: {  	v4 =	vmul.u32 $0x30, v62  }
0x6e: {  	v3 =	vand.u32 $0x7, v3  }
0x6f: {  	v3 =	vor.u32 v3, v4  }
0x70: {  	v4 =	vperm.xlane v3, v0;
	_ =	sdelay $0x1  }
0x71: {  	v4 =	vadd.s32 v1, v4;
	_ =	sdelay $0x3  }
0x72: {  	s23 =	simm.s32 $0x15A80;
	v3 =	vperm.xlane v3, v2  }
0x73: {  	[tilespmem:s23], [sflag:$0x1] =	stream.indirect_vreg.gather [hbm4b:s19+s4], $0x80, v4, vm0, $0xb8;
	[tilespmem:$0x1BA80] =	vst v63  }
0x74: {  	v3 =	vadd.s32 v1, v3;
	s23 =	simm.s32 $0x16280  }
0x75: {  	[tilespmem:s23], [sflag:$0x1] =	stream.indirect_vreg.gather [hbm4b:s20+s4], $0x80, v4, vm0, $0xb8;
	[tilespmem:$0x1BA80] =	vst v63  }
0x76: {  	s23 =	simm.s32 $0x16A80  }
0x77: {  	[tilespmem:s23], [sflag:$0x1] =	stream.indirect_vreg.gather [hbm4b:s21+s4], $0x80, v4, vm0, $0xb8;
	[tilespmem:$0x1BA80] =	vst v63  }
0x78: {  	s23 =	simm.s32 $0x17280  }
0x79: {  	[tilespmem:s23], [sflag:$0x1] =	stream.indirect_vreg.gather [hbm4b:s19+s4], $0x80, v3, vm0, $0xb8;
	[tilespmem:$0x1BA80] =	vst v63  }
0x7a: {  	s23 =	simm.s32 $0x17A80  }
0x7b: {  	[tilespmem:s23], [sflag:$0x1] =	stream.indirect_vreg.gather [hbm4b:s20+s4], $0x80, v3, vm0, $0xb8;
	[tilespmem:$0x1BA80] =	vst v63  }
0x7c: {  	s23 =	simm.s32 $0x18280  }
0x7d: {  	[tilespmem:s23], [sflag:$0x1] =	stream.indirect_vreg.gather [hbm4b:s21+s4], $0x80, v3, vm0, $0xb8;
	[tilespmem:$0x1BA80] =	vst v63  }
0x7e: {  	v3 =	vld [tilespmem:$0xA40];
	_ =	sdelay $0x4  }
0x7f: {  	v63 =	vshrl.u32 v3, $0x3  }
0x80: {  	v4 =	vmul.u32 $0x30, v63  }
0x81: {  	v3 =	vand.u32 $0x7, v3  }
0x82: {  	v3 =	vor.u32 v3, v4  }
0x83: {  	v4 =	vperm.xlane v3, v0;
	_ =	sdelay $0x1  }
0x84: {  	v4 =	vadd.s32 v1, v4;
	_ =	sdelay $0x3  }
0x85: {  	s23 =	simm.s32 $0x18A80;
	v3 =	vperm.xlane v3, v2  }
0x86: {  	[tilespmem:s23], [sflag:$0x1] =	stream.indirect_vreg.gather [hbm4b:s19+s4], $0x80, v4, vm0, $0xb8;
	[tilespmem:$0x1BA80] =	vst v63  }
0x87: {  	v3 =	vadd.s32 v1, v3;
	s23 =	simm.s32 $0x19280  }
0x88: {  	[tilespmem:s23], [sflag:$0x1] =	stream.indirect_vreg.gather [hbm4b:s20+s4], $0x80, v4, vm0, $0xb8;
	[tilespmem:$0x1BA80] =	vst v63  }
0x89: {  	s23 =	simm.s32 $0x19A80  }
0x8a: {  	[tilespmem:s23], [sflag:$0x1] =	stream.indirect_vreg.gather [hbm4b:s21+s4], $0x80, v4, vm0, $0xb8;
	[tilespmem:$0x1BA80] =	vst v63  }
0x8b: {  	s23 =	simm.s32 $0x1A280  }
0x8c: {  	[tilespmem:s23], [sflag:$0x1] =	stream.indirect_vreg.gather [hbm4b:s19+s4], $0x80, v3, vm0, $0xb8;
	[tilespmem:$0x1BA80] =	vst v63  }
0x8d: {  	s23 =	simm.s32 $0x1AA80  }
0x8e: {  	[tilespmem:s23], [sflag:$0x1] =	stream.indirect_vreg.gather [hbm4b:s20+s4], $0x80, v3, vm0, $0xb8;
	[tilespmem:$0x1BA80] =	vst v63  }
0x8f: {  	s20 =	simm.s32 $0x1B280  }
0x90: {  	[tilespmem:s20], [sflag:$0x1] =	stream.indirect_vreg.gather [hbm4b:s21+s4], $0x80, v3, vm0, $0xb8;
	[tilespmem:$0x1BA80] =	vst v63  }
0x91: {  	_ =	swait.ge [sflag:s17], $0xF000  }
0x92: {  	[sflag:s17] =	ssyncset.done $0x0  }
0x93: {  	s23 =	simm.s32 $0xCA80;
	s21 =	rddreg [dreg:$0x6];
	[sflag:s17] =	ssyncadd.s32 $0xFFFF1000  }
0x94: {  	[hbm4b:s21+s4] =	stream.linear.scatter [tilespmem:s23], [sflag:$0x5], $0xF000, $0x38;
	[tilespmem:$0x1BA80] =	vst v63  }
0x95: {  	_ =	swait.ge [sflag:s22], $0xF000  }
0x96: {  	[sflag:s22] =	ssyncset.done $0x0  }
0x97: {  	[sflag:s22] =	ssyncadd.s32 $0xFFFF1000  }
.LBB2_3:
.Ltmp3:
0x98: {  	(pc) =	sbr.rel .LBB2_4-.Ltmp3, $2  }
0x99: {  	_ =	sdelay $0x2  }
0x9a: {  	s19 =	simm.s32 $0x0;
	s20 =	simm.s32 $0x10  }
.LBB2_6:
0x9b: {  	s21 =	simm.s32 @!p1 $0x4  }
0x9c: {  	_ =	swait.ge @!p1 [sflag:s21], $0x6000  }
0x9d: {  	[sflag:s21] =	ssyncset.done @!p1 $0x0  }
0x9e: {  	[sflag:s21] =	ssyncadd.s32 @!p1 $0xFFFFA000  }
0x9f: {  	v3 =	vld [tilespmem:s20+$0xFFFFFFF0];
	_ =	sdelay $0x4  }
0xa0: {  	v4 =	vshrl.u32 v3, $0x3  }
0xa1: {  	v4 =	vmul.u32 $0x30, v4  }
0xa2: {  	v3 =	vand.u32 $0x7, v3  }
0xa3: {  	v3 =	vor.u32 v3, v4  }
0xa4: {  	v4 =	vperm.xlane v3, v0;
	_ =	sdelay $0x1  }
0xa5: {  	v4 =	vadd.s32 v1, v4;
	_ =	sdelay $0x3  }
0xa6: {  	s23 =	simm.s32 $0x6A80;
	v3 =	vperm.xlane v3, v2  }
0xa7: {  	[tilespmem:s23], [sflag:$0x2] =	stream.indirect_vreg.gather [hbm4b:s2+s4], $0x80, v4, vm0, $0xb8;
	[tilespmem:$0x1BA80] =	vst v63  }
0xa8: {  	s22 =	simm.s32 $0x7280;
	v3 =	vadd.s32 v1, v3  }
0xa9: {  	[tilespmem:s22], [sflag:$0x2] =	stream.indirect_vreg.gather [hbm4b:s11+s4], $0x80, v4, vm0, $0xb8;
	[tilespmem:$0x1BA80] =	vst v63  }
0xaa: {  	s23 =	simm.s32 $0x7A80  }
0xab: {  	[tilespmem:s23], [sflag:$0x2] =	stream.indirect_vreg.gather [hbm4b:s12+s4], $0x80, v4, vm0, $0xb8;
	[tilespmem:$0x1BA80] =	vst v63  }
0xac: {  	s22 =	simm.s32 $0x8280  }
0xad: {  	[tilespmem:s22], [sflag:$0x2] =	stream.indirect_vreg.gather [hbm4b:s2+s4], $0x80, v3, vm0, $0xb8;
	[tilespmem:$0x1BA80] =	vst v63  }
0xae: {  	s23 =	simm.s32 $0x8A80  }
0xaf: {  	[tilespmem:s23], [sflag:$0x2] =	stream.indirect_vreg.gather [hbm4b:s11+s4], $0x80, v3, vm0, $0xb8;
	[tilespmem:$0x1BA80] =	vst v63  }
0xb0: {  	_ = 	snop  }
0xb1: {  	[tilespmem:s24], [sflag:$0x2] =	stream.indirect_vreg.gather [hbm4b:s12+s4], $0x80, v3, vm0, $0xb8;
	[tilespmem:$0x1BA80] =	vst v63  }
0xb2: {  	v3 =	vld [tilespmem:s20+$0x0];
	_ =	sdelay $0x4  }
0xb3: {  	v63 =	vshrl.u32 v3, $0x3  }
0xb4: {  	v4 =	vmul.u32 $0x30, v63  }
0xb5: {  	v3 =	vand.u32 $0x7, v3  }
0xb6: {  	v3 =	vor.u32 v3, v4  }
0xb7: {  	v4 =	vperm.xlane v3, v0;
	_ =	sdelay $0x1  }
0xb8: {  	s21 =	sadd.s32 s19, s15;
	v4 =	vadd.s32 v1, v4  }
0xb9: {  	s22 =	sand.u32 $0x1F, s21  }
0xba: {  	p6 =	slt.s32 s21, $0x1;
	p2 =	sne.s32 s22, $0x0  }
0xbb: {  	p1 =	por !p6, !p2  }
0xbc: {  	s23 =	simm.s32 $0x1;
	p1 =	por !p1, !p1;
	v3 =	vperm.xlane v3, v2  }
0xbd: {  	[tilespmem:s25], [sflag:$0x2] =	stream.indirect_vreg.gather [hbm4b:s2+s4], $0x80, v4, vm0, $0xb8;
	[tilespmem:$0x1BA80] =	vst v63  }
0xbe: {  	s21 =	sshrl.u32 s21, $0x5;
	s23 =	simm.s32 @!p1 $0x0;
	v3 =	vadd.s32 v1, v3  }
0xbf: {  	[tilespmem:s26], [sflag:$0x2] =	stream.indirect_vreg.gather [hbm4b:s11+s4], $0x80, v4, vm0, $0xb8;
	[tilespmem:$0x1BA80] =	vst v63  }
0xc0: {  	s21 =	ssub.s32 s21, s23  }
0xc1: {  	[tilespmem:s28], [sflag:$0x2] =	stream.indirect_vreg.gather [hbm4b:s12+s4], $0x80, v4, vm0, $0xb8;
	[tilespmem:$0x1BA80] =	vst v63  }
0xc2: {  	s22 =	sshll.u32 s22, $0x5;
	s21 =	sshll.u32 s21, $0xA  }
0xc3: {  	[tilespmem:s29], [sflag:$0x2] =	stream.indirect_vreg.gather [hbm4b:s2+s4], $0x80, v3, vm0, $0xb8;
	[tilespmem:$0x1BA80] =	vst v63  }
0xc4: {  	s21 =	sor.u32 s22, s21  }
0xc5: {  	[tilespmem:s30], [sflag:$0x2] =	stream.indirect_vreg.gather [hbm4b:s11+s4], $0x80, v3, vm0, $0xb8;
	[tilespmem:$0x1BA80] =	vst v63  }
0xc6: {  	s21 =	sshrl.u32 s21, $0x3  }
0xc7: {  	[tilespmem:s31], [sflag:$0x2] =	stream.indirect_vreg.gather [hbm4b:s12+s4], $0x80, v3, vm0, $0xb8;
	[tilespmem:$0x1BA80] =	vst v63  }
0xc8: {  	s21 =	smul.u32 $0x300, s21;
	_ =	swait.ge [sflag:s17], $0x6000  }
0xc9: {  	[sflag:s17] =	ssyncset.done $0x0  }
0xca: {  	s21 =	sadd.s32 s6, s21;
	[sflag:s17] =	ssyncadd.s32 $0xFFFFA000  }
0xcb: {  	[hbm4b:s21+s4] =	stream.linear.scatter [tilespmem:s1], [sflag:$0x3], $0x6000, $0x38;
	[tilespmem:$0x1BA80] =	vst v63  }
.LBB2_7:
0xcc: {  	s19 =	sadd.s32 $0x1, s19  }
0xcd: {  	p1 =	sne.s32 s19, $0x4D  }
.Ltmp4:
0xce: {  	_ = 	snop;
	(pc) =	sbr.rel @!p1 .LBB2_8-.Ltmp4, $2  }
0xcf: {  	_ =	sdelay $0x2  }
0xd0: {  	s20 =	sadd.s32 $0x20, s20  }
.LBB2_4:
0xd1: {  	s21 =	sand.u32 $0x1, s19  }
0xd2: {  	p2 =	seq.s32 s21, $0x1  }
.Ltmp5:
0xd3: {  	_ = 	snop;
	(pc) =	sbr.rel @p2 .LBB2_6-.Ltmp5, $2  }
0xd4: {  	_ =	sdelay $0x2  }
0xd5: {  	p1 =	slt.u32 s19, $0x2  }
0xd6: {  	s21 =	simm.s32 @!p1 $0x3  }
0xd7: {  	_ =	swait.ge @!p1 [sflag:s21], $0x6000  }
0xd8: {  	[sflag:s21] =	ssyncset.done @!p1 $0x0  }
0xd9: {  	[sflag:s21] =	ssyncadd.s32 @!p1 $0xFFFFA000  }
0xda: {  	v3 =	vld [tilespmem:s20+$0xFFFFFFF0];
	_ =	sdelay $0x4  }
0xdb: {  	v4 =	vshrl.u32 v3, $0x3  }
0xdc: {  	v4 =	vmul.u32 $0x30, v4  }
0xdd: {  	v3 =	vand.u32 $0x7, v3  }
0xde: {  	v3 =	vor.u32 v3, v4  }
0xdf: {  	v4 =	vperm.xlane v3, v0;
	_ =	sdelay $0x1  }
0xe0: {  	v4 =	vadd.s32 v1, v4;
	_ =	sdelay $0x3  }
0xe1: {  	v3 =	vperm.xlane v3, v2  }
0xe2: {  	[tilespmem:s1], [sflag:$0x1] =	stream.indirect_vreg.gather [hbm4b:s2+s4], $0x80, v4, vm0, $0xb8;
	[tilespmem:$0x1BA80] =	vst v63  }
0xe3: {  	v3 =	vadd.s32 v1, v3  }
0xe4: {  	[tilespmem:s7], [sflag:$0x1] =	stream.indirect_vreg.gather [hbm4b:s11+s4], $0x80, v4, vm0, $0xb8;
	[tilespmem:$0x1BA80] =	vst v63  }
0xe5: {  	_ = 	snop  }
0xe6: {  	[tilespmem:s18], [sflag:$0x1] =	stream.indirect_vreg.gather [hbm4b:s12+s4], $0x80, v4, vm0, $0xb8;
	[tilespmem:$0x1BA80] =	vst v63  }
0xe7: {  	_ = 	snop  }
0xe8: {  	[tilespmem:s8], [sflag:$0x1] =	stream.indirect_vreg.gather [hbm4b:s2+s4], $0x80, v3, vm0, $0xb8;
	[tilespmem:$0x1BA80] =	vst v63  }
0xe9: {  	_ = 	snop  }
0xea: {  	[tilespmem:s13], [sflag:$0x1] =	stream.indirect_vreg.gather [hbm4b:s11+s4], $0x80, v3, vm0, $0xb8;
	[tilespmem:$0x1BA80] =	vst v63  }
0xeb: {  	_ = 	snop  }
0xec: {  	[tilespmem:s14], [sflag:$0x1] =	stream.indirect_vreg.gather [hbm4b:s12+s4], $0x80, v3, vm0, $0xb8;
	[tilespmem:$0x1BA80] =	vst v63  }
0xed: {  	v3 =	vld [tilespmem:s20+$0x0];
	_ =	sdelay $0x4  }
0xee: {  	v63 =	vshrl.u32 v3, $0x3  }
0xef: {  	v4 =	vmul.u32 $0x30, v63  }
0xf0: {  	v3 =	vand.u32 $0x7, v3  }
0xf1: {  	v3 =	vor.u32 v3, v4  }
0xf2: {  	v4 =	vperm.xlane v3, v0  }
0xf3: {  	p1 =	seq.s32 s19, $0x0  }
0xf4: {  	s21 =	sadd.s32 @!p1 s19, s15;
	v4 =	vadd.s32 v1, v4  }
0xf5: {  	s22 =	sand.u32 @!p1 $0x1F, s21  }
0xf6: {  	p2 =	slt.s32 @!p1 s21, $0x1;
	p3 =	sne.s32 @!p1 s22, $0x0  }
0xf7: {  	p2 =	por @!p1 !p2, !p3  }
0xf8: {  	p2 =	por @!p1 !p2, !p2;
	v3 =	vperm.xlane v3, v2  }
0xf9: {  	[tilespmem:s3], [sflag:$0x1] =	stream.indirect_vreg.gather [hbm4b:s2+s4], $0x80, v4, vm0, $0xb8;
	[tilespmem:$0x1BA80] =	vst v63  }
0xfa: {  	s23 =	simm.s32 @!p1 $0x1;
	p2 =	por !p2, p1;
	v3 =	vadd.s32 v1, v3  }
0xfb: {  	[tilespmem:s0], [sflag:$0x1] =	stream.indirect_vreg.gather [hbm4b:s11+s4], $0x80, v4, vm0, $0xb8;
	[tilespmem:$0x1BA80] =	vst v63  }
0xfc: {  	s21 =	sshrl.u32 @!p1 s21, $0x5;
	s23 =	simm.s32 @p2 $0x0  }
0xfd: {  	[tilespmem:s5], [sflag:$0x1] =	stream.indirect_vreg.gather [hbm4b:s12+s4], $0x80, v4, vm0, $0xb8;
	[tilespmem:$0x1BA80] =	vst v63  }
0xfe: {  	s21 =	ssub.s32 @!p1 s21, s23  }
0xff: {  	[tilespmem:s16], [sflag:$0x1] =	stream.indirect_vreg.gather [hbm4b:s2+s4], $0x80, v3, vm0, $0xb8;
	[tilespmem:$0x1BA80] =	vst v63  }
0x100: {  	s22 =	sshll.u32 @!p1 s22, $0x5;
	s21 =	sshll.u32 @!p1 s21, $0xA  }
0x101: {  	[tilespmem:s9], [sflag:$0x1] =	stream.indirect_vreg.gather [hbm4b:s11+s4], $0x80, v3, vm0, $0xb8;
	[tilespmem:$0x1BA80] =	vst v63  }
0x102: {  	s21 =	sor.u32 @!p1 s22, s21  }
0x103: {  	[tilespmem:s10], [sflag:$0x1] =	stream.indirect_vreg.gather [hbm4b:s12+s4], $0x80, v3, vm0, $0xb8;
	[tilespmem:$0x1BA80] =	vst v63  }
.Ltmp6:
0x104: {  	s23 =	simm.s32 @!p1 $0x2;
	s21 =	sshrl.u32 @!p1 s21, $0x3;
	(pc) =	sbr.rel .LBB2_7-.Ltmp6, $4  }
0x105: {  	s21 =	smul.u32 @!p1 $0x300, s21;
	_ =	swait.ge @!p1 [sflag:s23], $0x6000  }
0x106: {  	s22 =	simm.s32 @!p1 $0x0;
	[sflag:s23] =	ssyncset.done @!p1 $0x0  }
0x107: {  	s21 =	sadd.s32 @!p1 s6, s21;
	[sflag:s23] =	ssyncadd.s32 @!p1 $0xFFFFA000;
	s23 =	simm.s32 @!p1 $0x6A80  }
0x108: {  	[hbm4b:s21+s22] =	stream.linear.scatter @!p1 [tilespmem:s23], [sflag:$0x4], $0x6000, $0x38;
	[tilespmem:$0x1BA80] =	vst v63  }
.LBB2_9:
0x109: {  	_ =	sfence.sel $0x180000  }
0x10a: {  	[bflag:$0x0] =	sbarrier.arrive $0xFFFF  }
0x10b: {  	_ =	strace $0x90000047  }
0x10c: {  	s0 =	stileid.u32;
	[bflag:$0x2] =	sbarrier.arrive $0xFFFF  }
0x10d: {  	p0 =	sne.s32 s0, $0x0;
	s0 =	rddreg [dreg:$0x4]  }
0x10e: {  	s0 =	sadd.s32 @!p0 $0x100000, s0  }
0x10f: {  	[sflag:s0] =	ssyncadd.tile.s32 @!p0 $0x1;
	_ =	shalt  }
.Lfunc_end2:
_tile_overlayer_lowered:
.L_overlay_start_2:
0x110: {  	(tag) =	ssettag $0x2  }
0x111: {  	s0 =	rddreg [dreg:$0x0];
	s2 =	stileid.u32  }
0x112: {  	s1 =	rddreg [dreg:$0x1];
	p0 =	sne.s32 s2, $0x0  }
0x113: {  	s3 =	rddreg [dreg:$0x2];
	[bflag:$0x3] =	sbarrier.arrive $0xFFFF;
	s2 =	simm.s32 @!p0 $0x1C05  }
0x114: {  	[timem:s3], [sflag:s2] =	dma.local @!p0 [hbm:s0], s1  }
0x115: {  	s0 =	simm.s32 @!p0 $0x5  }
0x116: {  	_ =	swait.ge @!p0 [sflag:s0], s1  }
0x117: {  	s1 =	ssub.s32 @!p0 $0x0, s1;
	[sflag:s0] =	ssyncset.done @!p0 $0x0  }
0x118: {  	[sflag:s0] =	ssyncadd.s32 @!p0 s1  }
0x119: {  	[bflag:$0x3] =	sbarrier.arrive $0xFFFF  }
0x11a: {  	_ =	shalt  }

</sc_bundles>
